<compile_context>
chip_gen: v7x
topology: tpu7x:2x2x1
jax: 0.10.2.dev20260603
libtpu: 0.0.44.dev20260713+nightly
codegen_flags: <defaults>
</compile_context>

<pallas_src>
import functools
import math

import jax
import jax.numpy as jnp
from jax import lax
from jax.experimental import pallas as pl
from jax.experimental.pallas import tpu as pltpu
from jax.experimental.pallas import tpu_sc as plsc

B = 8
N = 2048
D = 512
C = 64
DC = 4
DW = D // DC
ECH = 64
NCH = N // ECH
L = 16

LOG2PI = math.log(2.0 * math.pi)
LN2 = math.log(2.0)

_C5 = 0.030449004538668337
_C4 = -0.13158182508875452
_C3 = 0.28527268109056625
_C2 = -0.4902307234234066
_C1 = 0.3060883032733293
_C0 = 9.97503255216024e-06 - 127.0 * LN2
_K = LN2 / (2.0 ** 23)


def _fastlog(x):
    bits = lax.bitcast_convert_type(x, jnp.int32)
    bf = bits.astype(jnp.float32)
    t = (bits & 0x7FFFFF).astype(jnp.float32) * (2.0 ** -23)
    h = _C5 * t + _C4
    h = h * t + _C3
    h = h * t + _C2
    h = h * t + _C1
    h = h * t + _C0
    return bf * _K + h



def _make_sc_call():
    mesh = plsc.VectorSubcoreMesh(core_axis_name="c", subcore_axis_name="s")

    @functools.partial(
        pl.kernel,
        out_type=[
            jax.ShapeDtypeStruct((B, DC, C, DW), jnp.float32),
            jax.ShapeDtypeStruct((B, DC, C, DW), jnp.float32),
        ],
        mesh=mesh,
        compiler_params=pltpu.CompilerParams(needs_layout_passes=False),
        scratch_types=[
            pltpu.VMEM((2, ECH, DW), jnp.float32),
            pltpu.VMEM((3, ECH, DW), jnp.float32),
            pltpu.VMEM((3, ECH, DW), jnp.float32),
            pltpu.VMEM((3, ECH), jnp.int32),
            pltpu.VMEM((3, ECH), jnp.int32),
            pltpu.VMEM_SHARED((16 * C, DW), jnp.float32),
            pltpu.VMEM_SHARED((16 * C, DW), jnp.float32),
            pltpu.SemaphoreType.DMA((3,)),
            pltpu.SemaphoreType.DMA((3,)),
        ],
    )
    def sc_kernel(means_h, prec_h, tgt_h, outP_h, outM_h,
                  m_buf, p_buf, pm_buf, t_buf, t2_buf, accPS, accPMS,
                  in_sem, sc_sem):
        cid = lax.axis_index("c")
        sid = lax.axis_index("s")
        wid = cid * 16 + sid
        b = wid // DC
        dc = wid % DC
        d0 = dc * DW
        c0 = sid * C

        zero = jnp.zeros((L,), jnp.float32)

        def copies(ch, s2, s3):
            e0 = ch * ECH
            return (
                pltpu.make_async_copy(
                    means_h.at[b, pl.ds(e0, ECH), pl.ds(d0, DW)],
                    m_buf.at[s2], in_sem.at[s3]),
                pltpu.make_async_copy(
                    prec_h.at[b, pl.ds(e0, ECH), pl.ds(d0, DW)],
                    p_buf.at[s3], in_sem.at[s3]),
                pltpu.make_async_copy(
                    tgt_h.at[b, pl.ds(e0, ECH)],
                    t_buf.at[s3], in_sem.at[s3]),
            )

        def issue(ch, s2, s3):
            for c_ in copies(ch, s2, s3):
                c_.start()

        def wait(ch, s2, s3):
            for c_ in copies(ch, s2, s3):
                c_.wait()

        def scatters(slot):
            return (
                pltpu.make_async_copy(
                    p_buf.at[slot], accPS.at[t2_buf.at[slot]],
                    sc_sem.at[slot]),
                pltpu.make_async_copy(
                    pm_buf.at[slot], accPMS.at[t2_buf.at[slot]],
                    sc_sem.at[slot]),
            )

        issue(0, 0, 0)

        def zero_body(e, _):
            for j in range(DW // L):
                pm_buf[0, e, pl.ds(j * L, L)] = zero
            return 0

        lax.fori_loop(0, C, zero_body, 0)
        pltpu.sync_copy(pm_buf.at[0, pl.ds(0, C)], accPS.at[pl.ds(c0, C)])
        pltpu.sync_copy(pm_buf.at[0, pl.ds(0, C)], accPMS.at[pl.ds(c0, C)])

        def chunk_body(ch, _):
            s2 = lax.rem(ch, 2)
            s3 = lax.rem(ch, 3)

            @pl.when(ch >= 2)
            def _():
                for c_ in scatters(lax.rem(ch + 1, 3)):
                    c_.wait()

            @pl.when(ch + 1 < NCH)
            def _():
                issue(ch + 1, 1 - s2, lax.rem(ch + 1, 3))

            wait(ch, s2, s3)

            @plsc.parallel_loop(0, ECH // L)
            def shift_tgt(g):
                sl = pl.ds(g * L, L)
                t2_buf[s3, sl] = t_buf[s3, sl] + c0

            @plsc.parallel_loop(0, ECH)
            def pm_row(e):
                for j in range(DW // L):
                    sl = pl.ds(j * L, L)
                    pm_buf[s3, e, sl] = p_buf[s3, e, sl] * m_buf[s2, e, sl]

            for c_ in scatters(s3):
                c_.start(add=True)
            return 0

        lax.fori_loop(0, NCH, chunk_body, 0)

        for last in (NCH - 2, NCH - 1):
            for c_ in scatters(last % 3):
                c_.wait()

        pltpu.sync_copy(accPS.at[pl.ds(c0, C)], outP_h.at[b, dc])
        pltpu.sync_copy(accPMS.at[pl.ds(c0, C)], outM_h.at[b, dc])

    return sc_kernel


_sc_call = _make_sc_call()



def _tc_stats_kernel(m_ref, p_ref, t_ref, out_ref):
    m = m_ref[0]
    p = p_ref[0]
    t = t_ref[0]
    logp = _fastlog(p)
    q = p * m * m
    l_e = jnp.sum(logp, axis=-1)
    q_e = jnp.sum(q, axis=-1)
    onehot = (lax.broadcasted_iota(jnp.int32, (C, N), 0) == t).astype(
        jnp.float32)
    rhs = jnp.stack([l_e, q_e, jnp.ones((N,), jnp.float32)], axis=-1)
    out_ref[0] = jnp.dot(onehot, rhs, preferred_element_type=jnp.float32)


def _tc_stats(means, precisions, targets):
    t3 = targets.reshape(B, 1, N)
    return pl.pallas_call(
        _tc_stats_kernel,
        grid=(B,),
        in_specs=[
            pl.BlockSpec((1, N, D), lambda b: (b, 0, 0)),
            pl.BlockSpec((1, N, D), lambda b: (b, 0, 0)),
            pl.BlockSpec((1, 1, N), lambda b: (b, 0, 0)),
        ],
        out_specs=pl.BlockSpec((1, C, 3), lambda b: (b, 0, 0)),
        out_shape=jax.ShapeDtypeStruct((B, C, 3), jnp.float32),
    )(means, precisions, t3)



def _tc_fin_kernel(accP_ref, accPM_ref, stats_ref, outP_ref, outM_ref,
                   ln_ref):
    dc = pl.program_id(1)
    accP = accP_ref[0, 0]
    accPM = accPM_ref[0, 0]
    mean = accPM / accP
    outP_ref[0] = accP
    outM_ref[0] = mean
    part = 0.5 * jnp.sum(accPM * mean - _fastlog(accP), axis=-1)

    @pl.when(dc == 0)
    def _():
        stats = stats_ref[0]
        n = jnp.maximum(stats[:, 2], 1.0)
        base = (0.5 * (1.0 - n) * (D * LOG2PI)
                + 0.5 * stats[:, 0] - 0.5 * stats[:, 1])
        row0 = lax.broadcasted_iota(jnp.int32, (8, C), 0) == 0
        ln_ref[0] = jnp.where(row0, base[None, :], 0.0)

    ln_ref[0, 0] += part


def _tc_finalize(accP4, accPM4, stats):
    return pl.pallas_call(
        _tc_fin_kernel,
        grid=(B, DC),
        in_specs=[
            pl.BlockSpec((1, 1, C, DW), lambda b, dc: (b, dc, 0, 0)),
            pl.BlockSpec((1, 1, C, DW), lambda b, dc: (b, dc, 0, 0)),
            pl.BlockSpec((1, C, 3), lambda b, dc: (b, 0, 0)),
        ],
        out_specs=[
            pl.BlockSpec((1, C, DW), lambda b, dc: (b, 0, dc)),
            pl.BlockSpec((1, C, DW), lambda b, dc: (b, 0, dc)),
            pl.BlockSpec((1, 8, C), lambda b, dc: (b, 0, 0)),
        ],
        out_shape=[
            jax.ShapeDtypeStruct((B, C, D), jnp.float32),
            jax.ShapeDtypeStruct((B, C, D), jnp.float32),
            jax.ShapeDtypeStruct((B, 8, C), jnp.float32),
        ],
    )(accP4, accPM4, stats)


def kernel(means, precisions, targets):
    targets = targets.astype(jnp.int32)
    stats = _tc_stats(means, precisions, targets)
    accP4, accPM4 = _sc_call(means, precisions, targets)
    outP, outM, ln = _tc_finalize(accP4, accPM4, stats)
    return (outM, outP, ln[:, 0, :])

# --- scband reference (transcript-rebuilt; emitter-appended) ---
"""Pipeline reference for scband-generative-contrastive-modelling-7078106104513 (READ-ONLY COPY).

The authoritative reference and input builder live on the scoring server;
editing this copy changes nothing except your own understanding.
"""

import jax, jax.numpy as jnp
import numpy as np
import math


def setup_inputs(seed: int = 0) -> dict:
    key = jax.random.key(seed)
    k1, k2, k3 = jax.random.split(key, 3)
    means = jax.random.normal(k1, (8, 2048, 512), dtype=jnp.float32)
    precisions = jax.random.uniform(k2, (8, 2048, 512), dtype=jnp.float32)
    targets = jax.random.randint(k3, (8, 2048), 0, 64)
    return {"means": means, "precisions": precisions, "targets": targets}


def reference(means, precisions, targets):
    # Faithful translation of GenerativeContrastiveModelling.inner_gaussian_product
    batch_size, num_examples, embedding_size = means.shape
    num_classes = int(jnp.unique(targets, size=64).shape[0])

    def scatter_add_dim1(vals):
        # torch: zeros(B, C, D).scatter_add_(1, targets.expand_as(vals), vals)
        return jax.vmap(
            lambda t, v: jnp.zeros((num_classes, embedding_size), vals.dtype).at[t].add(v)
        )(targets, vals)

    # get_num_samples: scatter_add of ones -> (B, C)
    ones = jnp.ones_like(targets).astype(means.dtype)
    num_samples = jax.vmap(
        lambda t, o: jnp.zeros((num_classes,), means.dtype).at[t].add(o)
    )(targets, ones)
    num_samples = num_samples[..., None]
    num_samples = jnp.maximum(num_samples, jnp.ones_like(num_samples))

    product_precision = scatter_add_dim1(precisions)
    product_mean = jnp.reciprocal(product_precision) * scatter_add_dim1(precisions * means)
    product_normalisation_exponent = 0.5 * (
        product_precision * jnp.square(product_mean)
        - scatter_add_dim1(precisions * jnp.square(means))
    )
    log_product_normalisation = (
        0.5 * (1.0 - num_samples) * jnp.log(jnp.ones_like(num_samples) * (2.0 * math.pi))
        + 0.5 * (scatter_add_dim1(jnp.log(precisions)) - jnp.log(product_precision))
        + product_normalisation_exponent
    )
    log_product_normalisation = log_product_normalisation.sum(axis=-1)
    return (product_mean, product_precision, log_product_normalisation)

if __name__ == "__main__":
    import jax
    _d = setup_inputs()
    print(jax.jit(kernel)(*tuple(_d.values())))

</pallas_src>

<mosaic_0001>
#map = affine_map<(d0, d1) -> (0, 0, 0)>
#map1 = affine_map<(d0, d1) -> (0, 0)>
#map2 = affine_map<(d0, d1) -> (0, 0, 0, 0)>
module attributes {stable_mosaic.version = 14 : i64} {
  func.func @sc_kernel(%arg0: i32, %arg1: i32, %arg2: memref<8x2048x512xf32, #tpu.memory_space<hbm>>, %arg3: memref<8x2048x512xf32, #tpu.memory_space<hbm>>, %arg4: memref<8x2048xi32, #tpu.memory_space<hbm>>, %arg5: memref<8x4x64x128xf32, #tpu.memory_space<hbm>>, %arg6: memref<8x4x64x128xf32, #tpu.memory_space<hbm>>, %arg7: memref<2x64x128xf32, #tpu.memory_space<vmem>>, %arg8: memref<3x64x128xf32, #tpu.memory_space<vmem>>, %arg9: memref<3x64x128xf32, #tpu.memory_space<vmem>>, %arg10: memref<3x64xi32, #tpu.memory_space<vmem>>, %arg11: memref<3x64xi32, #tpu.memory_space<vmem>>, %arg12: memref<1024x128xf32, #tpu.memory_space<vmem_shared>>, %arg13: memref<1024x128xf32, #tpu.memory_space<vmem_shared>>, %arg14: memref<3x!tpu.dma_semaphore, #tpu.memory_space<semaphore_mem>>, %arg15: memref<3x!tpu.dma_semaphore, #tpu.memory_space<semaphore_mem>>) attributes {dimension_semantics = [#tpu.dimension_semantics<core_parallel>, #tpu.dimension_semantics<subcore_parallel>], iteration_bounds = array<i64: 2, 16>, scalar_prefetch = 0 : i64, scratch_operands = 9 : i64, tpu.core_type = #tpu.core_type<sc_vector_subcore>, window_params = [{transform_indices = #map}, {transform_indices = #map}, {transform_indices = #map1}, {transform_indices = #map2}, {transform_indices = #map2}]} {
    %mul3A = arith.constant 16 : i32
    %mul3A_0 = arith.muli %arg0, %mul3A : i32
    %add3A = arith.addi %mul3A_0, %arg1 : i32
    %jit3A = arith.constant 4 : i32
    %div3A = arith.divsi %add3A, %jit3A : i32
    %sign3A = arith.constant 0 : i32
    %sign3A_1 = arith.cmpi sgt, %add3A, %sign3A : i32
    %sign3A_2 = arith.extui %sign3A_1 : i1 to i32
    %sign3A_3 = arith.constant 0 : i32
    %sign3A_4 = arith.cmpi slt, %add3A, %sign3A_3 : i32
    %sign3A_5 = arith.extui %sign3A_4 : i1 to i32
    %sign3A_6 = arith.subi %sign3A_2, %sign3A_5 : i32
    %sign3A_7 = arith.constant 0 : i32
    %sign3A_8 = arith.cmpi sgt, %jit3A, %sign3A_7 : i32
    %sign3A_9 = arith.extui %sign3A_8 : i1 to i32
    %sign3A_10 = arith.constant 0 : i32
    %sign3A_11 = arith.cmpi slt, %jit3A, %sign3A_10 : i32
    %sign3A_12 = arith.extui %sign3A_11 : i1 to i32
    %sign3A_13 = arith.subi %sign3A_9, %sign3A_12 : i32
    %ne3A = arith.cmpi ne, %sign3A_6, %sign3A_13 : i32
    %rem3A = arith.remsi %add3A, %jit3A : i32
    %ne3A_14 = arith.constant 0 : i32
    %ne3A_15 = arith.cmpi ne, %rem3A, %ne3A_14 : i32
    %and3A = arith.andi %ne3A, %ne3A_15 : i1
    %sub3A = arith.constant 1 : i32
    %sub3A_16 = arith.subi %div3A, %sub3A : i32
    %select_n3A = arith.select %and3A, %sub3A_16, %div3A : i32
    %jit3A_17 = arith.constant 4 : i32
    %eq3A = arith.constant 0 : i32
    %eq3A_18 = arith.cmpi eq, %jit3A_17, %eq3A : i32
    %jit3A_19 = arith.constant 1 : i32
    %select_n3A_20 = arith.select %eq3A_18, %jit3A_19, %jit3A_17 : i32
    %rem3A_21 = arith.remsi %add3A, %select_n3A_20 : i32
    %ne3A_22 = arith.constant 0 : i32
    %ne3A_23 = arith.cmpi ne, %rem3A_21, %ne3A_22 : i32
    %lt3A = arith.constant 0 : i32
    %lt3A_24 = arith.cmpi slt, %rem3A_21, %lt3A : i32
    %lt3A_25 = arith.constant 0 : i32
    %lt3A_26 = arith.cmpi slt, %select_n3A_20, %lt3A_25 : i32
    %ne3A_27 = arith.xori %lt3A_24, %lt3A_26 : i1
    %and3A_28 = arith.andi %ne3A_27, %ne3A_23 : i1
    %add3A_29 = arith.addi %rem3A_21, %select_n3A_20 : i32
    %select_n3A_30 = arith.select %and3A_28, %add3A_29, %rem3A_21 : i32
    %mul3A_31 = arith.constant 128 : i32
    %mul3A_32 = arith.muli %select_n3A_30, %mul3A_31 : i32
    %mul3A_33 = arith.constant 64 : i32
    %mul3A_34 = arith.muli %arg1, %mul3A_33 : i32
    %broadcast_in_dim3A = arith.constant 0.000000e+00 : f32
    %broadcast_in_dim3A_35 = vector.broadcast %broadcast_in_dim3A : f32 to vector<16xf32>
    %dma_start3A = arith.constant 0 : i32
    %dma_start3A_36 = arith.constant 0 : i32
    %dma_start3A_37 = arith.constant 0 : i32
    %dma_start3A_38 = arith.constant 0 : i32
    %dma_start3A_39 = tpu.memref_slice %arg7[%dma_start3A, %dma_start3A_37, %dma_start3A_38] : memref<2x64x128xf32, #tpu.memory_space<vmem>> -> memref<1x64x128xf32, #tpu.memory_space<vmem>>
    %dma_start3A_40 = tpu.memref_squeeze %dma_start3A_39 : memref<1x64x128xf32, #tpu.memory_space<vmem>> -> memref<64x128xf32, #tpu.memory_space<vmem>>
    %dma_start3A_41 = arith.constant 0 : i32
    %dma_start3A_42 = tpu.memref_slice %arg2[%select_n3A, %dma_start3A_41, %mul3A_32] : memref<8x2048x512xf32, #tpu.memory_space<hbm>> -> memref<1x64x128xf32, #tpu.memory_space<hbm>>
    %dma_start3A_43 = tpu.memref_squeeze %dma_start3A_42 : memref<1x64x128xf32, #tpu.memory_space<hbm>> -> memref<64x128xf32, #tpu.memory_space<hbm>>
    %dma_start3A_44 = tpu.memref_slice %arg14[%dma_start3A_36] : memref<3x!tpu.dma_semaphore, #tpu.memory_space<semaphore_mem>> -> memref<1x!tpu.dma_semaphore, #tpu.memory_space<semaphore_mem>>
    %dma_start3A_45 = tpu.memref_squeeze %dma_start3A_44 : memref<1x!tpu.dma_semaphore, #tpu.memory_space<semaphore_mem>> -> memref<!tpu.dma_semaphore, #tpu.memory_space<semaphore_mem>>
    %dma_start3A_46 = arith.constant 0 : i32
    %dma_start3A_47 = arith.constant 0 : i32
    %dma_start3A_48 = tpu.memref_slice %arg7[%dma_start3A, %dma_start3A_46, %dma_start3A_47] : memref<2x64x128xf32, #tpu.memory_space<vmem>> -> memref<1x64x128xf32, #tpu.memory_space<vmem>>
    %dma_start3A_49 = tpu.memref_squeeze %dma_start3A_48 : memref<1x64x128xf32, #tpu.memory_space<vmem>> -> memref<64x128xf32, #tpu.memory_space<vmem>>
    %dma_start3A_50 = arith.constant 0 : i32
    %dma_start3A_51 = tpu.memref_slice %arg2[%select_n3A, %dma_start3A_50, %mul3A_32] : memref<8x2048x512xf32, #tpu.memory_space<hbm>> -> memref<1x64x128xf32, #tpu.memory_space<hbm>>
    %dma_start3A_52 = tpu.memref_squeeze %dma_start3A_51 : memref<1x64x128xf32, #tpu.memory_space<hbm>> -> memref<64x128xf32, #tpu.memory_space<hbm>>
    tpu.enqueue_dma source(%dma_start3A_52 : memref<64x128xf32, #tpu.memory_space<hbm>>) target(%dma_start3A_49 : memref<64x128xf32, #tpu.memory_space<vmem>>) target_semaphore(%dma_start3A_45 : memref<!tpu.dma_semaphore, #tpu.memory_space<semaphore_mem>>)
    %dma_start3A_53 = arith.constant 0 : i32
    %dma_start3A_54 = arith.constant 0 : i32
    %dma_start3A_55 = arith.constant 0 : i32
    %dma_start3A_56 = arith.constant 0 : i32
    %dma_start3A_57 = tpu.memref_slice %arg8[%dma_start3A_53, %dma_start3A_55, %dma_start3A_56] : memref<3x64x128xf32, #tpu.memory_space<vmem>> -> memref<1x64x128xf32, #tpu.memory_space<vmem>>
    %dma_start3A_58 = tpu.memref_squeeze %dma_start3A_57 : memref<1x64x128xf32, #tpu.memory_space<vmem>> -> memref<64x128xf32, #tpu.memory_space<vmem>>
    %dma_start3A_59 = arith.constant 0 : i32
    %dma_start3A_60 = tpu.memref_slice %arg3[%select_n3A, %dma_start3A_59, %mul3A_32] : memref<8x2048x512xf32, #tpu.memory_space<hbm>> -> memref<1x64x128xf32, #tpu.memory_space<hbm>>
    %dma_start3A_61 = tpu.memref_squeeze %dma_start3A_60 : memref<1x64x128xf32, #tpu.memory_space<hbm>> -> memref<64x128xf32, #tpu.memory_space<hbm>>
    %dma_start3A_62 = tpu.memref_slice %arg14[%dma_start3A_54] : memref<3x!tpu.dma_semaphore, #tpu.memory_space<semaphore_mem>> -> memref<1x!tpu.dma_semaphore, #tpu.memory_space<semaphore_mem>>
    %dma_start3A_63 = tpu.memref_squeeze %dma_start3A_62 : memref<1x!tpu.dma_semaphore, #tpu.memory_space<semaphore_mem>> -> memref<!tpu.dma_semaphore, #tpu.memory_space<semaphore_mem>>
    %dma_start3A_64 = arith.constant 0 : i32
    %dma_start3A_65 = arith.constant 0 : i32
    %dma_start3A_66 = tpu.memref_slice %arg8[%dma_start3A_53, %dma_start3A_64, %dma_start3A_65] : memref<3x64x128xf32, #tpu.memory_space<vmem>> -> memref<1x64x128xf32, #tpu.memory_space<vmem>>
    %dma_start3A_67 = tpu.memref_squeeze %dma_start3A_66 : memref<1x64x128xf32, #tpu.memory_space<vmem>> -> memref<64x128xf32, #tpu.memory_space<vmem>>
    %dma_start3A_68 = arith.constant 0 : i32
    %dma_start3A_69 = tpu.memref_slice %arg3[%select_n3A, %dma_start3A_68, %mul3A_32] : memref<8x2048x512xf32, #tpu.memory_space<hbm>> -> memref<1x64x128xf32, #tpu.memory_space<hbm>>
    %dma_start3A_70 = tpu.memref_squeeze %dma_start3A_69 : memref<1x64x128xf32, #tpu.memory_space<hbm>> -> memref<64x128xf32, #tpu.memory_space<hbm>>
    tpu.enqueue_dma source(%dma_start3A_70 : memref<64x128xf32, #tpu.memory_space<hbm>>) target(%dma_start3A_67 : memref<64x128xf32, #tpu.memory_space<vmem>>) target_semaphore(%dma_start3A_63 : memref<!tpu.dma_semaphore, #tpu.memory_space<semaphore_mem>>)
    %dma_start3A_71 = arith.constant 0 : i32
    %dma_start3A_72 = arith.constant 0 : i32
    %dma_start3A_73 = arith.constant 0 : i32
    %dma_start3A_74 = tpu.memref_slice %arg10[%dma_start3A_71, %dma_start3A_73] : memref<3x64xi32, #tpu.memory_space<vmem>> -> memref<1x64xi32, #tpu.memory_space<vmem>>
    %dma_start3A_75 = tpu.memref_squeeze %dma_start3A_74 : memref<1x64xi32, #tpu.memory_space<vmem>> -> memref<64xi32, #tpu.memory_space<vmem>>
    %dma_start3A_76 = arith.constant 0 : i32
    %dma_start3A_77 = tpu.memref_slice %arg4[%select_n3A, %dma_start3A_76] : memref<8x2048xi32, #tpu.memory_space<hbm>> -> memref<1x64xi32, #tpu.memory_space<hbm>>
    %dma_start3A_78 = tpu.memref_squeeze %dma_start3A_77 : memref<1x64xi32, #tpu.memory_space<hbm>> -> memref<64xi32, #tpu.memory_space<hbm>>
    %dma_start3A_79 = tpu.memref_slice %arg14[%dma_start3A_72] : memref<3x!tpu.dma_semaphore, #tpu.memory_space<semaphore_mem>> -> memref<1x!tpu.dma_semaphore, #tpu.memory_space<semaphore_mem>>
    %dma_start3A_80 = tpu.memref_squeeze %dma_start3A_79 : memref<1x!tpu.dma_semaphore, #tpu.memory_space<semaphore_mem>> -> memref<!tpu.dma_semaphore, #tpu.memory_space<semaphore_mem>>
    %dma_start3A_81 = arith.constant 0 : i32
    %dma_start3A_82 = tpu.memref_slice %arg10[%dma_start3A_71, %dma_start3A_81] : memref<3x64xi32, #tpu.memory_space<vmem>> -> memref<1x64xi32, #tpu.memory_space<vmem>>
    %dma_start3A_83 = tpu.memref_squeeze %dma_start3A_82 : memref<1x64xi32, #tpu.memory_space<vmem>> -> memref<64xi32, #tpu.memory_space<vmem>>
    %dma_start3A_84 = arith.constant 0 : i32
    %dma_start3A_85 = tpu.memref_slice %arg4[%select_n3A, %dma_start3A_84] : memref<8x2048xi32, #tpu.memory_space<hbm>> -> memref<1x64xi32, #tpu.memory_space<hbm>>
    %dma_start3A_86 = tpu.memref_squeeze %dma_start3A_85 : memref<1x64xi32, #tpu.memory_space<hbm>> -> memref<64xi32, #tpu.memory_space<hbm>>
    tpu.enqueue_dma source(%dma_start3A_86 : memref<64xi32, #tpu.memory_space<hbm>>) target(%dma_start3A_83 : memref<64xi32, #tpu.memory_space<vmem>>) target_semaphore(%dma_start3A_80 : memref<!tpu.dma_semaphore, #tpu.memory_space<semaphore_mem>>)
    %scan3A = arith.constant 0 : i32
    %scan3A_87 = arith.constant 0 : i32
    %scan3A_88 = arith.constant 64 : i32
    %scan3A_89 = arith.addi %scan3A_87, %scan3A_88 : i32
    %scan3A_90 = arith.constant 1 : i32
    %scan3A_91 = scf.for %scan3A_160 = %scan3A_87 to %scan3A_89 step %scan3A_90 iter_args(%scan3A_161 = %scan3A) -> (i32)  : i32 {
      %swap3A = arith.constant 0 : i32
      %swap3A_162 = arith.index_cast %swap3A : i32 to index
      %swap3A_163 = arith.index_cast %scan3A_160 : i32 to index
      %swap3A_164 = arith.constant 0 : index
      %swap3A_165 = tpu.vector_load %arg9[%swap3A_162, %swap3A_163, %swap3A_164] {strides = array<i32>} : memref<3x64x128xf32, #tpu.memory_space<vmem>>, vector<16xf32>,
      tpu.vector_store %arg9[%swap3A_162, %swap3A_163, %swap3A_164], %broadcast_in_dim3A_35 {strides = array<i32>} : memref<3x64x128xf32, #tpu.memory_space<vmem>>, vector<16xf32>,
      %swap3A_166 = arith.constant 0 : i32
      %swap3A_167 = arith.index_cast %swap3A_166 : i32 to index
      %swap3A_168 = arith.index_cast %scan3A_160 : i32 to index
      %swap3A_169 = arith.constant 16 : index
      %swap3A_170 = tpu.vector_load %arg9[%swap3A_167, %swap3A_168, %swap3A_169] {strides = array<i32>} : memref<3x64x128xf32, #tpu.memory_space<vmem>>, vector<16xf32>,
      tpu.vector_store %arg9[%swap3A_167, %swap3A_168, %swap3A_169], %broadcast_in_dim3A_35 {strides = array<i32>} : memref<3x64x128xf32, #tpu.memory_space<vmem>>, vector<16xf32>,
      %swap3A_171 = arith.constant 0 : i32
      %swap3A_172 = arith.index_cast %swap3A_171 : i32 to index
      %swap3A_173 = arith.index_cast %scan3A_160 : i32 to index
      %swap3A_174 = arith.constant 32 : index
      %swap3A_175 = tpu.vector_load %arg9[%swap3A_172, %swap3A_173, %swap3A_174] {strides = array<i32>} : memref<3x64x128xf32, #tpu.memory_space<vmem>>, vector<16xf32>,
      tpu.vector_store %arg9[%swap3A_172, %swap3A_173, %swap3A_174], %broadcast_in_dim3A_35 {strides = array<i32>} : memref<3x64x128xf32, #tpu.memory_space<vmem>>, vector<16xf32>,
      %swap3A_176 = arith.constant 0 : i32
      %swap3A_177 = arith.index_cast %swap3A_176 : i32 to index
      %swap3A_178 = arith.index_cast %scan3A_160 : i32 to index
      %swap3A_179 = arith.constant 48 : index
      %swap3A_180 = tpu.vector_load %arg9[%swap3A_177, %swap3A_178, %swap3A_179] {strides = array<i32>} : memref<3x64x128xf32, #tpu.memory_space<vmem>>, vector<16xf32>,
      tpu.vector_store %arg9[%swap3A_177, %swap3A_178, %swap3A_179], %broadcast_in_dim3A_35 {strides = array<i32>} : memref<3x64x128xf32, #tpu.memory_space<vmem>>, vector<16xf32>,
      %swap3A_181 = arith.constant 0 : i32
      %swap3A_182 = arith.index_cast %swap3A_181 : i32 to index
      %swap3A_183 = arith.index_cast %scan3A_160 : i32 to index
      %swap3A_184 = arith.constant 64 : index
      %swap3A_185 = tpu.vector_load %arg9[%swap3A_182, %swap3A_183, %swap3A_184] {strides = array<i32>} : memref<3x64x128xf32, #tpu.memory_space<vmem>>, vector<16xf32>,
      tpu.vector_store %arg9[%swap3A_182, %swap3A_183, %swap3A_184], %broadcast_in_dim3A_35 {strides = array<i32>} : memref<3x64x128xf32, #tpu.memory_space<vmem>>, vector<16xf32>,
      %swap3A_186 = arith.constant 0 : i32
      %swap3A_187 = arith.index_cast %swap3A_186 : i32 to index
      %swap3A_188 = arith.index_cast %scan3A_160 : i32 to index
      %swap3A_189 = arith.constant 80 : index
      %swap3A_190 = tpu.vector_load %arg9[%swap3A_187, %swap3A_188, %swap3A_189] {strides = array<i32>} : memref<3x64x128xf32, #tpu.memory_space<vmem>>, vector<16xf32>,
      tpu.vector_store %arg9[%swap3A_187, %swap3A_188, %swap3A_189], %broadcast_in_dim3A_35 {strides = array<i32>} : memref<3x64x128xf32, #tpu.memory_space<vmem>>, vector<16xf32>,
      %swap3A_191 = arith.constant 0 : i32
      %swap3A_192 = arith.index_cast %swap3A_191 : i32 to index
      %swap3A_193 = arith.index_cast %scan3A_160 : i32 to index
      %swap3A_194 = arith.constant 96 : index
      %swap3A_195 = tpu.vector_load %arg9[%swap3A_192, %swap3A_193, %swap3A_194] {strides = array<i32>} : memref<3x64x128xf32, #tpu.memory_space<vmem>>, vector<16xf32>,
      tpu.vector_store %arg9[%swap3A_192, %swap3A_193, %swap3A_194], %broadcast_in_dim3A_35 {strides = array<i32>} : memref<3x64x128xf32, #tpu.memory_space<vmem>>, vector<16xf32>,
      %swap3A_196 = arith.constant 0 : i32
      %swap3A_197 = arith.index_cast %swap3A_196 : i32 to index
      %swap3A_198 = arith.index_cast %scan3A_160 : i32 to index
      %swap3A_199 = arith.constant 112 : index
      %swap3A_200 = tpu.vector_load %arg9[%swap3A_197, %swap3A_198, %swap3A_199] {strides = array<i32>} : memref<3x64x128xf32, #tpu.memory_space<vmem>>, vector<16xf32>,
      tpu.vector_store %arg9[%swap3A_197, %swap3A_198, %swap3A_199], %broadcast_in_dim3A_35 {strides = array<i32>} : memref<3x64x128xf32, #tpu.memory_space<vmem>>, vector<16xf32>,
      %scan3A_201 = arith.constant 0 : i32
      scf.yield %scan3A_201 : i32
    }
    %scan3A_92 = arith.constant 64 : i32
    %run_scoped3A = arith.constant 0 : i32
    "tpu.region"() ({
      %run_scoped3A_160 = tpu.sem_alloc : memref<!tpu.dma_semaphore, #tpu.memory_space<semaphore_mem>>
      %dma_start3A_161 = arith.constant 0 : i32
      %dma_start3A_162 = arith.constant 0 : i32
      %dma_start3A_163 = tpu.memref_slice %arg9[%run_scoped3A, %dma_start3A_161, %dma_start3A_162] : memref<3x64x128xf32, #tpu.memory_space<vmem>> -> memref<1x64x128xf32, #tpu.memory_space<vmem>>
      %dma_start3A_164 = tpu.memref_squeeze %dma_start3A_163 : memref<1x64x128xf32, #tpu.memory_space<vmem>> -> memref<64x128xf32, #tpu.memory_space<vmem>>
      %dma_start3A_165 = arith.constant 0 : i32
      %dma_start3A_166 = tpu.memref_slice %arg12[%mul3A_34, %dma_start3A_165] : memref<1024x128xf32, #tpu.memory_space<vmem_shared>> -> memref<64x128xf32, #tpu.memory_space<vmem_shared>>
      %dma_start3A_167 = arith.constant 0 : i32
      %dma_start3A_168 = tpu.memref_slice %arg12[%mul3A_34, %dma_start3A_167] : memref<1024x128xf32, #tpu.memory_space<vmem_shared>> -> memref<64x128xf32, #tpu.memory_space<vmem_shared>>
      %dma_start3A_169 = arith.constant 0 : i32
      %dma_start3A_170 = arith.constant 0 : i32
      %dma_start3A_171 = tpu.memref_slice %arg9[%run_scoped3A, %dma_start3A_169, %dma_start3A_170] : memref<3x64x128xf32, #tpu.memory_space<vmem>> -> memref<1x64x128xf32, #tpu.memory_space<vmem>>
      %dma_start3A_172 = tpu.memref_squeeze %dma_start3A_171 : memref<1x64x128xf32, #tpu.memory_space<vmem>> -> memref<64x128xf32, #tpu.memory_space<vmem>>
      tpu.enqueue_dma source(%dma_start3A_172 : memref<64x128xf32, #tpu.memory_space<vmem>>) target(%dma_start3A_168 : memref<64x128xf32, #tpu.memory_space<vmem_shared>>) target_semaphore(%run_scoped3A_160 : memref<!tpu.dma_semaphore, #tpu.memory_space<semaphore_mem>>)
      %dma_wait3A_173 = arith.constant 0 : i32
      %dma_wait3A_174 = arith.constant 0 : i32
      %dma_wait3A_175 = tpu.memref_slice %arg9[%run_scoped3A, %dma_wait3A_173, %dma_wait3A_174] : memref<3x64x128xf32, #tpu.memory_space<vmem>> -> memref<1x64x128xf32, #tpu.memory_space<vmem>>
      %dma_wait3A_176 = tpu.memref_squeeze %dma_wait3A_175 : memref<1x64x128xf32, #tpu.memory_space<vmem>> -> memref<64x128xf32, #tpu.memory_space<vmem>>
      %dma_wait3A_177 = arith.constant 0 : i32
      %dma_wait3A_178 = tpu.memref_slice %arg12[%mul3A_34, %dma_wait3A_177] : memref<1024x128xf32, #tpu.memory_space<vmem_shared>> -> memref<64x128xf32, #tpu.memory_space<vmem_shared>>
      %dma_wait3A_179 = arith.constant 0 : i32
      %dma_wait3A_180 = tpu.memref_slice %arg12[%mul3A_34, %dma_wait3A_179] : memref<1024x128xf32, #tpu.memory_space<vmem_shared>> -> memref<64x128xf32, #tpu.memory_space<vmem_shared>>
      %dma_wait3A_181 = arith.constant 0 : i32
      %dma_wait3A_182 = arith.constant 0 : i32
      %dma_wait3A_183 = tpu.memref_slice %arg9[%run_scoped3A, %dma_wait3A_181, %dma_wait3A_182] : memref<3x64x128xf32, #tpu.memory_space<vmem>> -> memref<1x64x128xf32, #tpu.memory_space<vmem>>
      %dma_wait3A_184 = tpu.memref_squeeze %dma_wait3A_183 : memref<1x64x128xf32, #tpu.memory_space<vmem>> -> memref<64x128xf32, #tpu.memory_space<vmem>>
      tpu.wait_dma2 semaphore(%run_scoped3A_160 : memref<!tpu.dma_semaphore, #tpu.memory_space<semaphore_mem>>) src(%dma_wait3A_184 : memref<64x128xf32, #tpu.memory_space<vmem>>) dst(%dma_wait3A_180 : memref<64x128xf32, #tpu.memory_space<vmem_shared>>)
      tpu.yield
    }) : () -> ()
    %run_scoped3A_93 = arith.constant 0 : i32
    "tpu.region"() ({
      %run_scoped3A_160 = tpu.sem_alloc : memref<!tpu.dma_semaphore, #tpu.memory_space<semaphore_mem>>
      %dma_start3A_161 = arith.constant 0 : i32
      %dma_start3A_162 = arith.constant 0 : i32
      %dma_start3A_163 = tpu.memref_slice %arg9[%run_scoped3A_93, %dma_start3A_161, %dma_start3A_162] : memref<3x64x128xf32, #tpu.memory_space<vmem>> -> memref<1x64x128xf32, #tpu.memory_space<vmem>>
      %dma_start3A_164 = tpu.memref_squeeze %dma_start3A_163 : memref<1x64x128xf32, #tpu.memory_space<vmem>> -> memref<64x128xf32, #tpu.memory_space<vmem>>
      %dma_start3A_165 = arith.constant 0 : i32
      %dma_start3A_166 = tpu.memref_slice %arg13[%mul3A_34, %dma_start3A_165] : memref<1024x128xf32, #tpu.memory_space<vmem_shared>> -> memref<64x128xf32, #tpu.memory_space<vmem_shared>>
      %dma_start3A_167 = arith.constant 0 : i32
      %dma_start3A_168 = tpu.memref_slice %arg13[%mul3A_34, %dma_start3A_167] : memref<1024x128xf32, #tpu.memory_space<vmem_shared>> -> memref<64x128xf32, #tpu.memory_space<vmem_shared>>
      %dma_start3A_169 = arith.constant 0 : i32
      %dma_start3A_170 = arith.constant 0 : i32
      %dma_start3A_171 = tpu.memref_slice %arg9[%run_scoped3A_93, %dma_start3A_169, %dma_start3A_170] : memref<3x64x128xf32, #tpu.memory_space<vmem>> -> memref<1x64x128xf32, #tpu.memory_space<vmem>>
      %dma_start3A_172 = tpu.memref_squeeze %dma_start3A_171 : memref<1x64x128xf32, #tpu.memory_space<vmem>> -> memref<64x128xf32, #tpu.memory_space<vmem>>
      tpu.enqueue_dma source(%dma_start3A_172 : memref<64x128xf32, #tpu.memory_space<vmem>>) target(%dma_start3A_168 : memref<64x128xf32, #tpu.memory_space<vmem_shared>>) target_semaphore(%run_scoped3A_160 : memref<!tpu.dma_semaphore, #tpu.memory_space<semaphore_mem>>)
      %dma_wait3A_173 = arith.constant 0 : i32
      %dma_wait3A_174 = arith.constant 0 : i32
      %dma_wait3A_175 = tpu.memref_slice %arg9[%run_scoped3A_93, %dma_wait3A_173, %dma_wait3A_174] : memref<3x64x128xf32, #tpu.memory_space<vmem>> -> memref<1x64x128xf32, #tpu.memory_space<vmem>>
      %dma_wait3A_176 = tpu.memref_squeeze %dma_wait3A_175 : memref<1x64x128xf32, #tpu.memory_space<vmem>> -> memref<64x128xf32, #tpu.memory_space<vmem>>
      %dma_wait3A_177 = arith.constant 0 : i32
      %dma_wait3A_178 = tpu.memref_slice %arg13[%mul3A_34, %dma_wait3A_177] : memref<1024x128xf32, #tpu.memory_space<vmem_shared>> -> memref<64x128xf32, #tpu.memory_space<vmem_shared>>
      %dma_wait3A_179 = arith.constant 0 : i32
      %dma_wait3A_180 = tpu.memref_slice %arg13[%mul3A_34, %dma_wait3A_179] : memref<1024x128xf32, #tpu.memory_space<vmem_shared>> -> memref<64x128xf32, #tpu.memory_space<vmem_shared>>
      %dma_wait3A_181 = arith.constant 0 : i32
      %dma_wait3A_182 = arith.constant 0 : i32
      %dma_wait3A_183 = tpu.memref_slice %arg9[%run_scoped3A_93, %dma_wait3A_181, %dma_wait3A_182] : memref<3x64x128xf32, #tpu.memory_space<vmem>> -> memref<1x64x128xf32, #tpu.memory_space<vmem>>
      %dma_wait3A_184 = tpu.memref_squeeze %dma_wait3A_183 : memref<1x64x128xf32, #tpu.memory_space<vmem>> -> memref<64x128xf32, #tpu.memory_space<vmem>>
      tpu.wait_dma2 semaphore(%run_scoped3A_160 : memref<!tpu.dma_semaphore, #tpu.memory_space<semaphore_mem>>) src(%dma_wait3A_184 : memref<64x128xf32, #tpu.memory_space<vmem>>) dst(%dma_wait3A_180 : memref<64x128xf32, #tpu.memory_space<vmem_shared>>)
      tpu.yield
    }) : () -> ()
    %scan3A_94 = arith.constant 0 : i32
    %scan3A_95 = arith.constant 0 : i32
    %scan3A_96 = arith.constant 32 : i32
    %scan3A_97 = arith.addi %scan3A_95, %scan3A_96 : i32
    %scan3A_98 = arith.constant 1 : i32
    %scan3A_99 = scf.for %scan3A_160 = %scan3A_95 to %scan3A_97 step %scan3A_98 iter_args(%scan3A_161 = %scan3A_94) -> (i32)  : i32 {
      %rem3A_162 = arith.constant 2 : i32
      %rem3A_163 = arith.remsi %scan3A_160, %rem3A_162 : i32
      %rem3A_164 = arith.constant 3 : i32
      %rem3A_165 = arith.remsi %scan3A_160, %rem3A_164 : i32
      %ge3A = arith.constant 2 : i32
      %ge3A_166 = arith.cmpi sge, %scan3A_160, %ge3A : i32
      %convert_element_type3A = arith.extui %ge3A_166 : i1 to i32
      %cond3A = arith.constant 0 : i32
      %cond3A_167 = arith.cmpi ne, %convert_element_type3A, %cond3A : i32
      scf.if %cond3A_167 {
        %add3A_247 = arith.constant 1 : i32
        %add3A_248 = arith.addi %scan3A_160, %add3A_247 : i32
        %rem3A_249 = arith.constant 3 : i32
        %rem3A_250 = arith.remsi %add3A_248, %rem3A_249 : i32
        %dma_wait3A_251 = arith.constant 0 : i32
        %dma_wait3A_252 = arith.constant 0 : i32
        %dma_wait3A_253 = tpu.memref_slice %arg8[%rem3A_250, %dma_wait3A_251, %dma_wait3A_252] : memref<3x64x128xf32, #tpu.memory_space<vmem>> -> memref<1x64x128xf32, #tpu.memory_space<vmem>>
        %dma_wait3A_254 = tpu.memref_squeeze %dma_wait3A_253 : memref<1x64x128xf32, #tpu.memory_space<vmem>> -> memref<64x128xf32, #tpu.memory_space<vmem>>
        %dma_wait3A_255 = arith.constant 0 : i32
        %dma_wait3A_256 = tpu.memref_slice %arg11[%rem3A_250, %dma_wait3A_255] : memref<3x64xi32, #tpu.memory_space<vmem>> -> memref<1x64xi32, #tpu.memory_space<vmem>>
        %dma_wait3A_257 = tpu.memref_squeeze %dma_wait3A_256 : memref<1x64xi32, #tpu.memory_space<vmem>> -> memref<64xi32, #tpu.memory_space<vmem>>
        %dma_wait3A_258 = arith.constant 0 : i32
        %dma_wait3A_259 = arith.constant 0 : i32
        %dma_wait3A_260 = tpu.memref_slice %arg12[%dma_wait3A_258, %dma_wait3A_259] : memref<1024x128xf32, #tpu.memory_space<vmem_shared>> -> memref<1024x128xf32, #tpu.memory_space<vmem_shared>>
        %dma_wait3A_261 = tpu.memref_slice %arg15[%rem3A_250] : memref<3x!tpu.dma_semaphore, #tpu.memory_space<semaphore_mem>> -> memref<1x!tpu.dma_semaphore, #tpu.memory_space<semaphore_mem>>
        %dma_wait3A_262 = tpu.memref_squeeze %dma_wait3A_261 : memref<1x!tpu.dma_semaphore, #tpu.memory_space<semaphore_mem>> -> memref<!tpu.dma_semaphore, #tpu.memory_space<semaphore_mem>>
        tpu.wait_indirect_dma semaphore(%dma_wait3A_262 : memref<!tpu.dma_semaphore, #tpu.memory_space<semaphore_mem>>) src(%dma_wait3A_254 : memref<64x128xf32, #tpu.memory_space<vmem>>) dst(%dma_wait3A_260 : memref<1024x128xf32, #tpu.memory_space<vmem_shared>>)
        %dma_wait3A_263 = arith.constant 0 : i32
        %dma_wait3A_264 = arith.constant 0 : i32
        %dma_wait3A_265 = tpu.memref_slice %arg9[%rem3A_250, %dma_wait3A_263, %dma_wait3A_264] : memref<3x64x128xf32, #tpu.memory_space<vmem>> -> memref<1x64x128xf32, #tpu.memory_space<vmem>>
        %dma_wait3A_266 = tpu.memref_squeeze %dma_wait3A_265 : memref<1x64x128xf32, #tpu.memory_space<vmem>> -> memref<64x128xf32, #tpu.memory_space<vmem>>
        %dma_wait3A_267 = arith.constant 0 : i32
        %dma_wait3A_268 = tpu.memref_slice %arg11[%rem3A_250, %dma_wait3A_267] : memref<3x64xi32, #tpu.memory_space<vmem>> -> memref<1x64xi32, #tpu.memory_space<vmem>>
        %dma_wait3A_269 = tpu.memref_squeeze %dma_wait3A_268 : memref<1x64xi32, #tpu.memory_space<vmem>> -> memref<64xi32, #tpu.memory_space<vmem>>
        %dma_wait3A_270 = arith.constant 0 : i32
        %dma_wait3A_271 = arith.constant 0 : i32
        %dma_wait3A_272 = tpu.memref_slice %arg13[%dma_wait3A_270, %dma_wait3A_271] : memref<1024x128xf32, #tpu.memory_space<vmem_shared>> -> memref<1024x128xf32, #tpu.memory_space<vmem_shared>>
        %dma_wait3A_273 = tpu.memref_slice %arg15[%rem3A_250] : memref<3x!tpu.dma_semaphore, #tpu.memory_space<semaphore_mem>> -> memref<1x!tpu.dma_semaphore, #tpu.memory_space<semaphore_mem>>
        %dma_wait3A_274 = tpu.memref_squeeze %dma_wait3A_273 : memref<1x!tpu.dma_semaphore, #tpu.memory_space<semaphore_mem>> -> memref<!tpu.dma_semaphore, #tpu.memory_space<semaphore_mem>>
        tpu.wait_indirect_dma semaphore(%dma_wait3A_274 : memref<!tpu.dma_semaphore, #tpu.memory_space<semaphore_mem>>) src(%dma_wait3A_266 : memref<64x128xf32, #tpu.memory_space<vmem>>) dst(%dma_wait3A_272 : memref<1024x128xf32, #tpu.memory_space<vmem_shared>>)
      } else {
      }
      %add3A_168 = arith.constant 1 : i32
      %add3A_169 = arith.addi %scan3A_160, %add3A_168 : i32
      %lt3A_170 = arith.constant 32 : i32
      %lt3A_171 = arith.cmpi slt, %add3A_169, %lt3A_170 : i32
      %convert_element_type3A_172 = arith.extui %lt3A_171 : i1 to i32
      %cond3A_173 = arith.constant 0 : i32
      %cond3A_174 = arith.cmpi ne, %convert_element_type3A_172, %cond3A_173 : i32
      scf.if %cond3A_174 {
        %add3A_247 = arith.constant 1 : i32
        %add3A_248 = arith.addi %scan3A_160, %add3A_247 : i32
        %sub3A_249 = arith.constant 1 : i32
        %sub3A_250 = arith.subi %sub3A_249, %rem3A_163 : i32
        %add3A_251 = arith.constant 1 : i32
        %add3A_252 = arith.addi %scan3A_160, %add3A_251 : i32
        %rem3A_253 = arith.constant 3 : i32
        %rem3A_254 = arith.remsi %add3A_252, %rem3A_253 : i32
        %mul3A_255 = arith.constant 64 : i32
        %mul3A_256 = arith.muli %add3A_248, %mul3A_255 : i32
        %dma_start3A_257 = arith.constant 0 : i32
        %dma_start3A_258 = arith.constant 0 : i32
        %dma_start3A_259 = tpu.memref_slice %arg7[%sub3A_250, %dma_start3A_257, %dma_start3A_258] : memref<2x64x128xf32, #tpu.memory_space<vmem>> -> memref<1x64x128xf32, #tpu.memory_space<vmem>>
        %dma_start3A_260 = tpu.memref_squeeze %dma_start3A_259 : memref<1x64x128xf32, #tpu.memory_space<vmem>> -> memref<64x128xf32, #tpu.memory_space<vmem>>
        %dma_start3A_261 = tpu.memref_slice %arg2[%select_n3A, %mul3A_256, %mul3A_32] : memref<8x2048x512xf32, #tpu.memory_space<hbm>> -> memref<1x64x128xf32, #tpu.memory_space<hbm>>
        %dma_start3A_262 = tpu.memref_squeeze %dma_start3A_261 : memref<1x64x128xf32, #tpu.memory_space<hbm>> -> memref<64x128xf32, #tpu.memory_space<hbm>>
        %dma_start3A_263 = tpu.memref_slice %arg14[%rem3A_254] : memref<3x!tpu.dma_semaphore, #tpu.memory_space<semaphore_mem>> -> memref<1x!tpu.dma_semaphore, #tpu.memory_space<semaphore_mem>>
        %dma_start3A_264 = tpu.memref_squeeze %dma_start3A_263 : memref<1x!tpu.dma_semaphore, #tpu.memory_space<semaphore_mem>> -> memref<!tpu.dma_semaphore, #tpu.memory_space<semaphore_mem>>
        %dma_start3A_265 = arith.constant 0 : i32
        %dma_start3A_266 = arith.constant 0 : i32
        %dma_start3A_267 = tpu.memref_slice %arg7[%sub3A_250, %dma_start3A_265, %dma_start3A_266] : memref<2x64x128xf32, #tpu.memory_space<vmem>> -> memref<1x64x128xf32, #tpu.memory_space<vmem>>
        %dma_start3A_268 = tpu.memref_squeeze %dma_start3A_267 : memref<1x64x128xf32, #tpu.memory_space<vmem>> -> memref<64x128xf32, #tpu.memory_space<vmem>>
        %dma_start3A_269 = tpu.memref_slice %arg2[%select_n3A, %mul3A_256, %mul3A_32] : memref<8x2048x512xf32, #tpu.memory_space<hbm>> -> memref<1x64x128xf32, #tpu.memory_space<hbm>>
        %dma_start3A_270 = tpu.memref_squeeze %dma_start3A_269 : memref<1x64x128xf32, #tpu.memory_space<hbm>> -> memref<64x128xf32, #tpu.memory_space<hbm>>
        tpu.enqueue_dma source(%dma_start3A_270 : memref<64x128xf32, #tpu.memory_space<hbm>>) target(%dma_start3A_268 : memref<64x128xf32, #tpu.memory_space<vmem>>) target_semaphore(%dma_start3A_264 : memref<!tpu.dma_semaphore, #tpu.memory_space<semaphore_mem>>)
        %dma_start3A_271 = arith.constant 0 : i32
        %dma_start3A_272 = arith.constant 0 : i32
        %dma_start3A_273 = tpu.memref_slice %arg8[%rem3A_254, %dma_start3A_271, %dma_start3A_272] : memref<3x64x128xf32, #tpu.memory_space<vmem>> -> memref<1x64x128xf32, #tpu.memory_space<vmem>>
        %dma_start3A_274 = tpu.memref_squeeze %dma_start3A_273 : memref<1x64x128xf32, #tpu.memory_space<vmem>> -> memref<64x128xf32, #tpu.memory_space<vmem>>
        %dma_start3A_275 = tpu.memref_slice %arg3[%select_n3A, %mul3A_256, %mul3A_32] : memref<8x2048x512xf32, #tpu.memory_space<hbm>> -> memref<1x64x128xf32, #tpu.memory_space<hbm>>
        %dma_start3A_276 = tpu.memref_squeeze %dma_start3A_275 : memref<1x64x128xf32, #tpu.memory_space<hbm>> -> memref<64x128xf32, #tpu.memory_space<hbm>>
        %dma_start3A_277 = tpu.memref_slice %arg14[%rem3A_254] : memref<3x!tpu.dma_semaphore, #tpu.memory_space<semaphore_mem>> -> memref<1x!tpu.dma_semaphore, #tpu.memory_space<semaphore_mem>>
        %dma_start3A_278 = tpu.memref_squeeze %dma_start3A_277 : memref<1x!tpu.dma_semaphore, #tpu.memory_space<semaphore_mem>> -> memref<!tpu.dma_semaphore, #tpu.memory_space<semaphore_mem>>
        %dma_start3A_279 = arith.constant 0 : i32
        %dma_start3A_280 = arith.constant 0 : i32
        %dma_start3A_281 = tpu.memref_slice %arg8[%rem3A_254, %dma_start3A_279, %dma_start3A_280] : memref<3x64x128xf32, #tpu.memory_space<vmem>> -> memref<1x64x128xf32, #tpu.memory_space<vmem>>
        %dma_start3A_282 = tpu.memref_squeeze %dma_start3A_281 : memref<1x64x128xf32, #tpu.memory_space<vmem>> -> memref<64x128xf32, #tpu.memory_space<vmem>>
        %dma_start3A_283 = tpu.memref_slice %arg3[%select_n3A, %mul3A_256, %mul3A_32] : memref<8x2048x512xf32, #tpu.memory_space<hbm>> -> memref<1x64x128xf32, #tpu.memory_space<hbm>>
        %dma_start3A_284 = tpu.memref_squeeze %dma_start3A_283 : memref<1x64x128xf32, #tpu.memory_space<hbm>> -> memref<64x128xf32, #tpu.memory_space<hbm>>
        tpu.enqueue_dma source(%dma_start3A_284 : memref<64x128xf32, #tpu.memory_space<hbm>>) target(%dma_start3A_282 : memref<64x128xf32, #tpu.memory_space<vmem>>) target_semaphore(%dma_start3A_278 : memref<!tpu.dma_semaphore, #tpu.memory_space<semaphore_mem>>)
        %dma_start3A_285 = arith.constant 0 : i32
        %dma_start3A_286 = tpu.memref_slice %arg10[%rem3A_254, %dma_start3A_285] : memref<3x64xi32, #tpu.memory_space<vmem>> -> memref<1x64xi32, #tpu.memory_space<vmem>>
        %dma_start3A_287 = tpu.memref_squeeze %dma_start3A_286 : memref<1x64xi32, #tpu.memory_space<vmem>> -> memref<64xi32, #tpu.memory_space<vmem>>
        %dma_start3A_288 = tpu.memref_slice %arg4[%select_n3A, %mul3A_256] : memref<8x2048xi32, #tpu.memory_space<hbm>> -> memref<1x64xi32, #tpu.memory_space<hbm>>
        %dma_start3A_289 = tpu.memref_squeeze %dma_start3A_288 : memref<1x64xi32, #tpu.memory_space<hbm>> -> memref<64xi32, #tpu.memory_space<hbm>>
        %dma_start3A_290 = tpu.memref_slice %arg14[%rem3A_254] : memref<3x!tpu.dma_semaphore, #tpu.memory_space<semaphore_mem>> -> memref<1x!tpu.dma_semaphore, #tpu.memory_space<semaphore_mem>>
        %dma_start3A_291 = tpu.memref_squeeze %dma_start3A_290 : memref<1x!tpu.dma_semaphore, #tpu.memory_space<semaphore_mem>> -> memref<!tpu.dma_semaphore, #tpu.memory_space<semaphore_mem>>
        %dma_start3A_292 = arith.constant 0 : i32
        %dma_start3A_293 = tpu.memref_slice %arg10[%rem3A_254, %dma_start3A_292] : memref<3x64xi32, #tpu.memory_space<vmem>> -> memref<1x64xi32, #tpu.memory_space<vmem>>
        %dma_start3A_294 = tpu.memref_squeeze %dma_start3A_293 : memref<1x64xi32, #tpu.memory_space<vmem>> -> memref<64xi32, #tpu.memory_space<vmem>>
        %dma_start3A_295 = tpu.memref_slice %arg4[%select_n3A, %mul3A_256] : memref<8x2048xi32, #tpu.memory_space<hbm>> -> memref<1x64xi32, #tpu.memory_space<hbm>>
        %dma_start3A_296 = tpu.memref_squeeze %dma_start3A_295 : memref<1x64xi32, #tpu.memory_space<hbm>> -> memref<64xi32, #tpu.memory_space<hbm>>
        tpu.enqueue_dma source(%dma_start3A_296 : memref<64xi32, #tpu.memory_space<hbm>>) target(%dma_start3A_294 : memref<64xi32, #tpu.memory_space<vmem>>) target_semaphore(%dma_start3A_291 : memref<!tpu.dma_semaphore, #tpu.memory_space<semaphore_mem>>)
      } else {
      }
      %mul3A_175 = arith.constant 64 : i32
      %mul3A_176 = arith.muli %scan3A_160, %mul3A_175 : i32
      %dma_wait3A_177 = arith.constant 0 : i32
      %dma_wait3A_178 = arith.constant 0 : i32
      %dma_wait3A_179 = tpu.memref_slice %arg7[%rem3A_163, %dma_wait3A_177, %dma_wait3A_178] : memref<2x64x128xf32, #tpu.memory_space<vmem>> -> memref<1x64x128xf32, #tpu.memory_space<vmem>>
      %dma_wait3A_180 = tpu.memref_squeeze %dma_wait3A_179 : memref<1x64x128xf32, #tpu.memory_space<vmem>> -> memref<64x128xf32, #tpu.memory_space<vmem>>
      %dma_wait3A_181 = tpu.memref_slice %arg2[%select_n3A, %mul3A_176, %mul3A_32] : memref<8x2048x512xf32, #tpu.memory_space<hbm>> -> memref<1x64x128xf32, #tpu.memory_space<hbm>>
      %dma_wait3A_182 = tpu.memref_squeeze %dma_wait3A_181 : memref<1x64x128xf32, #tpu.memory_space<hbm>> -> memref<64x128xf32, #tpu.memory_space<hbm>>
      %dma_wait3A_183 = tpu.memref_slice %arg14[%rem3A_165] : memref<3x!tpu.dma_semaphore, #tpu.memory_space<semaphore_mem>> -> memref<1x!tpu.dma_semaphore, #tpu.memory_space<semaphore_mem>>
      %dma_wait3A_184 = tpu.memref_squeeze %dma_wait3A_183 : memref<1x!tpu.dma_semaphore, #tpu.memory_space<semaphore_mem>> -> memref<!tpu.dma_semaphore, #tpu.memory_space<semaphore_mem>>
      %dma_wait3A_185 = arith.constant 0 : i32
      %dma_wait3A_186 = arith.constant 0 : i32
      %dma_wait3A_187 = tpu.memref_slice %arg7[%rem3A_163, %dma_wait3A_185, %dma_wait3A_186] : memref<2x64x128xf32, #tpu.memory_space<vmem>> -> memref<1x64x128xf32, #tpu.memory_space<vmem>>
      %dma_wait3A_188 = tpu.memref_squeeze %dma_wait3A_187 : memref<1x64x128xf32, #tpu.memory_space<vmem>> -> memref<64x128xf32, #tpu.memory_space<vmem>>
      %dma_wait3A_189 = tpu.memref_slice %arg2[%select_n3A, %mul3A_176, %mul3A_32] : memref<8x2048x512xf32, #tpu.memory_space<hbm>> -> memref<1x64x128xf32, #tpu.memory_space<hbm>>
      %dma_wait3A_190 = tpu.memref_squeeze %dma_wait3A_189 : memref<1x64x128xf32, #tpu.memory_space<hbm>> -> memref<64x128xf32, #tpu.memory_space<hbm>>
      tpu.wait_dma2 semaphore(%dma_wait3A_184 : memref<!tpu.dma_semaphore, #tpu.memory_space<semaphore_mem>>) src(%dma_wait3A_190 : memref<64x128xf32, #tpu.memory_space<hbm>>) dst(%dma_wait3A_188 : memref<64x128xf32, #tpu.memory_space<vmem>>)
      %dma_wait3A_191 = arith.constant 0 : i32
      %dma_wait3A_192 = arith.constant 0 : i32
      %dma_wait3A_193 = tpu.memref_slice %arg8[%rem3A_165, %dma_wait3A_191, %dma_wait3A_192] : memref<3x64x128xf32, #tpu.memory_space<vmem>> -> memref<1x64x128xf32, #tpu.memory_space<vmem>>
      %dma_wait3A_194 = tpu.memref_squeeze %dma_wait3A_193 : memref<1x64x128xf32, #tpu.memory_space<vmem>> -> memref<64x128xf32, #tpu.memory_space<vmem>>
      %dma_wait3A_195 = tpu.memref_slice %arg3[%select_n3A, %mul3A_176, %mul3A_32] : memref<8x2048x512xf32, #tpu.memory_space<hbm>> -> memref<1x64x128xf32, #tpu.memory_space<hbm>>
      %dma_wait3A_196 = tpu.memref_squeeze %dma_wait3A_195 : memref<1x64x128xf32, #tpu.memory_space<hbm>> -> memref<64x128xf32, #tpu.memory_space<hbm>>
      %dma_wait3A_197 = tpu.memref_slice %arg14[%rem3A_165] : memref<3x!tpu.dma_semaphore, #tpu.memory_space<semaphore_mem>> -> memref<1x!tpu.dma_semaphore, #tpu.memory_space<semaphore_mem>>
      %dma_wait3A_198 = tpu.memref_squeeze %dma_wait3A_197 : memref<1x!tpu.dma_semaphore, #tpu.memory_space<semaphore_mem>> -> memref<!tpu.dma_semaphore, #tpu.memory_space<semaphore_mem>>
      %dma_wait3A_199 = arith.constant 0 : i32
      %dma_wait3A_200 = arith.constant 0 : i32
      %dma_wait3A_201 = tpu.memref_slice %arg8[%rem3A_165, %dma_wait3A_199, %dma_wait3A_200] : memref<3x64x128xf32, #tpu.memory_space<vmem>> -> memref<1x64x128xf32, #tpu.memory_space<vmem>>
      %dma_wait3A_202 = tpu.memref_squeeze %dma_wait3A_201 : memref<1x64x128xf32, #tpu.memory_space<vmem>> -> memref<64x128xf32, #tpu.memory_space<vmem>>
      %dma_wait3A_203 = tpu.memref_slice %arg3[%select_n3A, %mul3A_176, %mul3A_32] : memref<8x2048x512xf32, #tpu.memory_space<hbm>> -> memref<1x64x128xf32, #tpu.memory_space<hbm>>
      %dma_wait3A_204 = tpu.memref_squeeze %dma_wait3A_203 : memref<1x64x128xf32, #tpu.memory_space<hbm>> -> memref<64x128xf32, #tpu.memory_space<hbm>>
      tpu.wait_dma2 semaphore(%dma_wait3A_198 : memref<!tpu.dma_semaphore, #tpu.memory_space<semaphore_mem>>) src(%dma_wait3A_204 : memref<64x128xf32, #tpu.memory_space<hbm>>) dst(%dma_wait3A_202 : memref<64x128xf32, #tpu.memory_space<vmem>>)
      %dma_wait3A_205 = arith.constant 0 : i32
      %dma_wait3A_206 = tpu.memref_slice %arg10[%rem3A_165, %dma_wait3A_205] : memref<3x64xi32, #tpu.memory_space<vmem>> -> memref<1x64xi32, #tpu.memory_space<vmem>>
      %dma_wait3A_207 = tpu.memref_squeeze %dma_wait3A_206 : memref<1x64xi32, #tpu.memory_space<vmem>> -> memref<64xi32, #tpu.memory_space<vmem>>
      %dma_wait3A_208 = tpu.memref_slice %arg4[%select_n3A, %mul3A_176] : memref<8x2048xi32, #tpu.memory_space<hbm>> -> memref<1x64xi32, #tpu.memory_space<hbm>>
      %dma_wait3A_209 = tpu.memref_squeeze %dma_wait3A_208 : memref<1x64xi32, #tpu.memory_space<hbm>> -> memref<64xi32, #tpu.memory_space<hbm>>
      %dma_wait3A_210 = tpu.memref_slice %arg14[%rem3A_165] : memref<3x!tpu.dma_semaphore, #tpu.memory_space<semaphore_mem>> -> memref<1x!tpu.dma_semaphore, #tpu.memory_space<semaphore_mem>>
      %dma_wait3A_211 = tpu.memref_squeeze %dma_wait3A_210 : memref<1x!tpu.dma_semaphore, #tpu.memory_space<semaphore_mem>> -> memref<!tpu.dma_semaphore, #tpu.memory_space<semaphore_mem>>
      %dma_wait3A_212 = arith.constant 0 : i32
      %dma_wait3A_213 = tpu.memref_slice %arg10[%rem3A_165, %dma_wait3A_212] : memref<3x64xi32, #tpu.memory_space<vmem>> -> memref<1x64xi32, #tpu.memory_space<vmem>>
      %dma_wait3A_214 = tpu.memref_squeeze %dma_wait3A_213 : memref<1x64xi32, #tpu.memory_space<vmem>> -> memref<64xi32, #tpu.memory_space<vmem>>
      %dma_wait3A_215 = tpu.memref_slice %arg4[%select_n3A, %mul3A_176] : memref<8x2048xi32, #tpu.memory_space<hbm>> -> memref<1x64xi32, #tpu.memory_space<hbm>>
      %dma_wait3A_216 = tpu.memref_squeeze %dma_wait3A_215 : memref<1x64xi32, #tpu.memory_space<hbm>> -> memref<64xi32, #tpu.memory_space<hbm>>
      tpu.wait_dma2 semaphore(%dma_wait3A_211 : memref<!tpu.dma_semaphore, #tpu.memory_space<semaphore_mem>>) src(%dma_wait3A_216 : memref<64xi32, #tpu.memory_space<hbm>>) dst(%dma_wait3A_214 : memref<64xi32, #tpu.memory_space<vmem>>)
      %parallel_loop3A = arith.constant 0 : i32
      %parallel_loop3A_217 = arith.constant 4 : i32
      %parallel_loop3A_218 = arith.constant 1 : i32
      scf.for %parallel_loop3A_247 = %parallel_loop3A to %parallel_loop3A_217 step %parallel_loop3A_218  : i32 {
        %parallel_loop3A_248 = arith.constant 16 : i32
        %parallel_loop3A_249 = arith.muli %parallel_loop3A_247, %parallel_loop3A_248 : i32
        %parallel_loop3A_250 = arith.index_cast %rem3A_165 : i32 to index
        %parallel_loop3A_251 = arith.index_cast %parallel_loop3A_249 : i32 to index
        %parallel_loop3A_252 = tpu.vector_load %arg10[%parallel_loop3A_250, %parallel_loop3A_251] {strides = array<i32>} : memref<3x64xi32, #tpu.memory_space<vmem>>, vector<16xi32>,
        %parallel_loop3A_253 = vector.broadcast %mul3A_34 : i32 to vector<16xi32>
        %parallel_loop3A_254 = arith.addi %parallel_loop3A_252, %parallel_loop3A_253 : vector<16xi32>
        %parallel_loop3A_255 = arith.index_cast %rem3A_165 : i32 to index
        %parallel_loop3A_256 = arith.index_cast %parallel_loop3A_249 : i32 to index
        %parallel_loop3A_257 = tpu.vector_load %arg11[%parallel_loop3A_255, %parallel_loop3A_256] {strides = array<i32>} : memref<3x64xi32, #tpu.memory_space<vmem>>, vector<16xi32>,
        tpu.vector_store %arg11[%parallel_loop3A_255, %parallel_loop3A_256], %parallel_loop3A_254 {strides = array<i32>} : memref<3x64xi32, #tpu.memory_space<vmem>>, vector<16xi32>,
      } {sc.loop_unroll_factor = 1 : i64, sc.parallel_access}
      %parallel_loop3A_219 = arith.constant 0 : i32
      %parallel_loop3A_220 = arith.constant 64 : i32
      %parallel_loop3A_221 = arith.constant 1 : i32
      scf.for %parallel_loop3A_247 = %parallel_loop3A_219 to %parallel_loop3A_220 step %parallel_loop3A_221  : i32 {
        %parallel_loop3A_248 = arith.index_cast %rem3A_165 : i32 to index
        %parallel_loop3A_249 = arith.index_cast %parallel_loop3A_247 : i32 to index
        %parallel_loop3A_250 = arith.constant 0 : index
        %parallel_loop3A_251 = tpu.vector_load %arg8[%parallel_loop3A_248, %parallel_loop3A_249, %parallel_loop3A_250] {strides = array<i32>} : memref<3x64x128xf32, #tpu.memory_space<vmem>>, vector<16xf32>,
        %parallel_loop3A_252 = arith.index_cast %rem3A_163 : i32 to index
        %parallel_loop3A_253 = arith.index_cast %parallel_loop3A_247 : i32 to index
        %parallel_loop3A_254 = arith.constant 0 : index
        %parallel_loop3A_255 = tpu.vector_load %arg7[%parallel_loop3A_252, %parallel_loop3A_253, %parallel_loop3A_254] {strides = array<i32>} : memref<2x64x128xf32, #tpu.memory_space<vmem>>, vector<16xf32>,
        %parallel_loop3A_256 = arith.mulf %parallel_loop3A_251, %parallel_loop3A_255 : vector<16xf32>
        %parallel_loop3A_257 = arith.index_cast %rem3A_165 : i32 to index
        %parallel_loop3A_258 = arith.index_cast %parallel_loop3A_247 : i32 to index
        %parallel_loop3A_259 = arith.constant 0 : index
        %parallel_loop3A_260 = tpu.vector_load %arg9[%parallel_loop3A_257, %parallel_loop3A_258, %parallel_loop3A_259] {strides = array<i32>} : memref<3x64x128xf32, #tpu.memory_space<vmem>>, vector<16xf32>,
        tpu.vector_store %arg9[%parallel_loop3A_257, %parallel_loop3A_258, %parallel_loop3A_259], %parallel_loop3A_256 {strides = array<i32>} : memref<3x64x128xf32, #tpu.memory_space<vmem>>, vector<16xf32>,
        %parallel_loop3A_261 = arith.index_cast %rem3A_165 : i32 to index
        %parallel_loop3A_262 = arith.index_cast %parallel_loop3A_247 : i32 to index
        %parallel_loop3A_263 = arith.constant 16 : index
        %parallel_loop3A_264 = tpu.vector_load %arg8[%parallel_loop3A_261, %parallel_loop3A_262, %parallel_loop3A_263] {strides = array<i32>} : memref<3x64x128xf32, #tpu.memory_space<vmem>>, vector<16xf32>,
        %parallel_loop3A_265 = arith.index_cast %rem3A_163 : i32 to index
        %parallel_loop3A_266 = arith.index_cast %parallel_loop3A_247 : i32 to index
        %parallel_loop3A_267 = arith.constant 16 : index
        %parallel_loop3A_268 = tpu.vector_load %arg7[%parallel_loop3A_265, %parallel_loop3A_266, %parallel_loop3A_267] {strides = array<i32>} : memref<2x64x128xf32, #tpu.memory_space<vmem>>, vector<16xf32>,
        %parallel_loop3A_269 = arith.mulf %parallel_loop3A_264, %parallel_loop3A_268 : vector<16xf32>
        %parallel_loop3A_270 = arith.index_cast %rem3A_165 : i32 to index
        %parallel_loop3A_271 = arith.index_cast %parallel_loop3A_247 : i32 to index
        %parallel_loop3A_272 = arith.constant 16 : index
        %parallel_loop3A_273 = tpu.vector_load %arg9[%parallel_loop3A_270, %parallel_loop3A_271, %parallel_loop3A_272] {strides = array<i32>} : memref<3x64x128xf32, #tpu.memory_space<vmem>>, vector<16xf32>,
        tpu.vector_store %arg9[%parallel_loop3A_270, %parallel_loop3A_271, %parallel_loop3A_272], %parallel_loop3A_269 {strides = array<i32>} : memref<3x64x128xf32, #tpu.memory_space<vmem>>, vector<16xf32>,
        %parallel_loop3A_274 = arith.index_cast %rem3A_165 : i32 to index
        %parallel_loop3A_275 = arith.index_cast %parallel_loop3A_247 : i32 to index
        %parallel_loop3A_276 = arith.constant 32 : index
        %parallel_loop3A_277 = tpu.vector_load %arg8[%parallel_loop3A_274, %parallel_loop3A_275, %parallel_loop3A_276] {strides = array<i32>} : memref<3x64x128xf32, #tpu.memory_space<vmem>>, vector<16xf32>,
        %parallel_loop3A_278 = arith.index_cast %rem3A_163 : i32 to index
        %parallel_loop3A_279 = arith.index_cast %parallel_loop3A_247 : i32 to index
        %parallel_loop3A_280 = arith.constant 32 : index
        %parallel_loop3A_281 = tpu.vector_load %arg7[%parallel_loop3A_278, %parallel_loop3A_279, %parallel_loop3A_280] {strides = array<i32>} : memref<2x64x128xf32, #tpu.memory_space<vmem>>, vector<16xf32>,
        %parallel_loop3A_282 = arith.mulf %parallel_loop3A_277, %parallel_loop3A_281 : vector<16xf32>
        %parallel_loop3A_283 = arith.index_cast %rem3A_165 : i32 to index
        %parallel_loop3A_284 = arith.index_cast %parallel_loop3A_247 : i32 to index
        %parallel_loop3A_285 = arith.constant 32 : index
        %parallel_loop3A_286 = tpu.vector_load %arg9[%parallel_loop3A_283, %parallel_loop3A_284, %parallel_loop3A_285] {strides = array<i32>} : memref<3x64x128xf32, #tpu.memory_space<vmem>>, vector<16xf32>,
        tpu.vector_store %arg9[%parallel_loop3A_283, %parallel_loop3A_284, %parallel_loop3A_285], %parallel_loop3A_282 {strides = array<i32>} : memref<3x64x128xf32, #tpu.memory_space<vmem>>, vector<16xf32>,
        %parallel_loop3A_287 = arith.index_cast %rem3A_165 : i32 to index
        %parallel_loop3A_288 = arith.index_cast %parallel_loop3A_247 : i32 to index
        %parallel_loop3A_289 = arith.constant 48 : index
        %parallel_loop3A_290 = tpu.vector_load %arg8[%parallel_loop3A_287, %parallel_loop3A_288, %parallel_loop3A_289] {strides = array<i32>} : memref<3x64x128xf32, #tpu.memory_space<vmem>>, vector<16xf32>,
        %parallel_loop3A_291 = arith.index_cast %rem3A_163 : i32 to index
        %parallel_loop3A_292 = arith.index_cast %parallel_loop3A_247 : i32 to index
        %parallel_loop3A_293 = arith.constant 48 : index
        %parallel_loop3A_294 = tpu.vector_load %arg7[%parallel_loop3A_291, %parallel_loop3A_292, %parallel_loop3A_293] {strides = array<i32>} : memref<2x64x128xf32, #tpu.memory_space<vmem>>, vector<16xf32>,
        %parallel_loop3A_295 = arith.mulf %parallel_loop3A_290, %parallel_loop3A_294 : vector<16xf32>
        %parallel_loop3A_296 = arith.index_cast %rem3A_165 : i32 to index
        %parallel_loop3A_297 = arith.index_cast %parallel_loop3A_247 : i32 to index
        %parallel_loop3A_298 = arith.constant 48 : index
        %parallel_loop3A_299 = tpu.vector_load %arg9[%parallel_loop3A_296, %parallel_loop3A_297, %parallel_loop3A_298] {strides = array<i32>} : memref<3x64x128xf32, #tpu.memory_space<vmem>>, vector<16xf32>,
        tpu.vector_store %arg9[%parallel_loop3A_296, %parallel_loop3A_297, %parallel_loop3A_298], %parallel_loop3A_295 {strides = array<i32>} : memref<3x64x128xf32, #tpu.memory_space<vmem>>, vector<16xf32>,
        %parallel_loop3A_300 = arith.index_cast %rem3A_165 : i32 to index
        %parallel_loop3A_301 = arith.index_cast %parallel_loop3A_247 : i32 to index
        %parallel_loop3A_302 = arith.constant 64 : index
        %parallel_loop3A_303 = tpu.vector_load %arg8[%parallel_loop3A_300, %parallel_loop3A_301, %parallel_loop3A_302] {strides = array<i32>} : memref<3x64x128xf32, #tpu.memory_space<vmem>>, vector<16xf32>,
        %parallel_loop3A_304 = arith.index_cast %rem3A_163 : i32 to index
        %parallel_loop3A_305 = arith.index_cast %parallel_loop3A_247 : i32 to index
        %parallel_loop3A_306 = arith.constant 64 : index
        %parallel_loop3A_307 = tpu.vector_load %arg7[%parallel_loop3A_304, %parallel_loop3A_305, %parallel_loop3A_306] {strides = array<i32>} : memref<2x64x128xf32, #tpu.memory_space<vmem>>, vector<16xf32>,
        %parallel_loop3A_308 = arith.mulf %parallel_loop3A_303, %parallel_loop3A_307 : vector<16xf32>
        %parallel_loop3A_309 = arith.index_cast %rem3A_165 : i32 to index
        %parallel_loop3A_310 = arith.index_cast %parallel_loop3A_247 : i32 to index
        %parallel_loop3A_311 = arith.constant 64 : index
        %parallel_loop3A_312 = tpu.vector_load %arg9[%parallel_loop3A_309, %parallel_loop3A_310, %parallel_loop3A_311] {strides = array<i32>} : memref<3x64x128xf32, #tpu.memory_space<vmem>>, vector<16xf32>,
        tpu.vector_store %arg9[%parallel_loop3A_309, %parallel_loop3A_310, %parallel_loop3A_311], %parallel_loop3A_308 {strides = array<i32>} : memref<3x64x128xf32, #tpu.memory_space<vmem>>, vector<16xf32>,
        %parallel_loop3A_313 = arith.index_cast %rem3A_165 : i32 to index
        %parallel_loop3A_314 = arith.index_cast %parallel_loop3A_247 : i32 to index
        %parallel_loop3A_315 = arith.constant 80 : index
        %parallel_loop3A_316 = tpu.vector_load %arg8[%parallel_loop3A_313, %parallel_loop3A_314, %parallel_loop3A_315] {strides = array<i32>} : memref<3x64x128xf32, #tpu.memory_space<vmem>>, vector<16xf32>,
        %parallel_loop3A_317 = arith.index_cast %rem3A_163 : i32 to index
        %parallel_loop3A_318 = arith.index_cast %parallel_loop3A_247 : i32 to index
        %parallel_loop3A_319 = arith.constant 80 : index
        %parallel_loop3A_320 = tpu.vector_load %arg7[%parallel_loop3A_317, %parallel_loop3A_318, %parallel_loop3A_319] {strides = array<i32>} : memref<2x64x128xf32, #tpu.memory_space<vmem>>, vector<16xf32>,
        %parallel_loop3A_321 = arith.mulf %parallel_loop3A_316, %parallel_loop3A_320 : vector<16xf32>
        %parallel_loop3A_322 = arith.index_cast %rem3A_165 : i32 to index
        %parallel_loop3A_323 = arith.index_cast %parallel_loop3A_247 : i32 to index
        %parallel_loop3A_324 = arith.constant 80 : index
        %parallel_loop3A_325 = tpu.vector_load %arg9[%parallel_loop3A_322, %parallel_loop3A_323, %parallel_loop3A_324] {strides = array<i32>} : memref<3x64x128xf32, #tpu.memory_space<vmem>>, vector<16xf32>,
        tpu.vector_store %arg9[%parallel_loop3A_322, %parallel_loop3A_323, %parallel_loop3A_324], %parallel_loop3A_321 {strides = array<i32>} : memref<3x64x128xf32, #tpu.memory_space<vmem>>, vector<16xf32>,
        %parallel_loop3A_326 = arith.index_cast %rem3A_165 : i32 to index
        %parallel_loop3A_327 = arith.index_cast %parallel_loop3A_247 : i32 to index
        %parallel_loop3A_328 = arith.constant 96 : index
        %parallel_loop3A_329 = tpu.vector_load %arg8[%parallel_loop3A_326, %parallel_loop3A_327, %parallel_loop3A_328] {strides = array<i32>} : memref<3x64x128xf32, #tpu.memory_space<vmem>>, vector<16xf32>,
        %parallel_loop3A_330 = arith.index_cast %rem3A_163 : i32 to index
        %parallel_loop3A_331 = arith.index_cast %parallel_loop3A_247 : i32 to index
        %parallel_loop3A_332 = arith.constant 96 : index
        %parallel_loop3A_333 = tpu.vector_load %arg7[%parallel_loop3A_330, %parallel_loop3A_331, %parallel_loop3A_332] {strides = array<i32>} : memref<2x64x128xf32, #tpu.memory_space<vmem>>, vector<16xf32>,
        %parallel_loop3A_334 = arith.mulf %parallel_loop3A_329, %parallel_loop3A_333 : vector<16xf32>
        %parallel_loop3A_335 = arith.index_cast %rem3A_165 : i32 to index
        %parallel_loop3A_336 = arith.index_cast %parallel_loop3A_247 : i32 to index
        %parallel_loop3A_337 = arith.constant 96 : index
        %parallel_loop3A_338 = tpu.vector_load %arg9[%parallel_loop3A_335, %parallel_loop3A_336, %parallel_loop3A_337] {strides = array<i32>} : memref<3x64x128xf32, #tpu.memory_space<vmem>>, vector<16xf32>,
        tpu.vector_store %arg9[%parallel_loop3A_335, %parallel_loop3A_336, %parallel_loop3A_337], %parallel_loop3A_334 {strides = array<i32>} : memref<3x64x128xf32, #tpu.memory_space<vmem>>, vector<16xf32>,
        %parallel_loop3A_339 = arith.index_cast %rem3A_165 : i32 to index
        %parallel_loop3A_340 = arith.index_cast %parallel_loop3A_247 : i32 to index
        %parallel_loop3A_341 = arith.constant 112 : index
        %parallel_loop3A_342 = tpu.vector_load %arg8[%parallel_loop3A_339, %parallel_loop3A_340, %parallel_loop3A_341] {strides = array<i32>} : memref<3x64x128xf32, #tpu.memory_space<vmem>>, vector<16xf32>,
        %parallel_loop3A_343 = arith.index_cast %rem3A_163 : i32 to index
        %parallel_loop3A_344 = arith.index_cast %parallel_loop3A_247 : i32 to index
        %parallel_loop3A_345 = arith.constant 112 : index
        %parallel_loop3A_346 = tpu.vector_load %arg7[%parallel_loop3A_343, %parallel_loop3A_344, %parallel_loop3A_345] {strides = array<i32>} : memref<2x64x128xf32, #tpu.memory_space<vmem>>, vector<16xf32>,
        %parallel_loop3A_347 = arith.mulf %parallel_loop3A_342, %parallel_loop3A_346 : vector<16xf32>
        %parallel_loop3A_348 = arith.index_cast %rem3A_165 : i32 to index
        %parallel_loop3A_349 = arith.index_cast %parallel_loop3A_247 : i32 to index
        %parallel_loop3A_350 = arith.constant 112 : index
        %parallel_loop3A_351 = tpu.vector_load %arg9[%parallel_loop3A_348, %parallel_loop3A_349, %parallel_loop3A_350] {strides = array<i32>} : memref<3x64x128xf32, #tpu.memory_space<vmem>>, vector<16xf32>,
        tpu.vector_store %arg9[%parallel_loop3A_348, %parallel_loop3A_349, %parallel_loop3A_350], %parallel_loop3A_347 {strides = array<i32>} : memref<3x64x128xf32, #tpu.memory_space<vmem>>, vector<16xf32>,
      } {sc.loop_unroll_factor = 1 : i64, sc.parallel_access}
      %dma_start3A_222 = arith.constant 0 : i32
      %dma_start3A_223 = arith.constant 0 : i32
      %dma_start3A_224 = tpu.memref_slice %arg8[%rem3A_165, %dma_start3A_222, %dma_start3A_223] : memref<3x64x128xf32, #tpu.memory_space<vmem>> -> memref<1x64x128xf32, #tpu.memory_space<vmem>>
      %dma_start3A_225 = tpu.memref_squeeze %dma_start3A_224 : memref<1x64x128xf32, #tpu.memory_space<vmem>> -> memref<64x128xf32, #tpu.memory_space<vmem>>
      %dma_start3A_226 = arith.constant 0 : i32
      %dma_start3A_227 = tpu.memref_slice %arg11[%rem3A_165, %dma_start3A_226] : memref<3x64xi32, #tpu.memory_space<vmem>> -> memref<1x64xi32, #tpu.memory_space<vmem>>
      %dma_start3A_228 = tpu.memref_squeeze %dma_start3A_227 : memref<1x64xi32, #tpu.memory_space<vmem>> -> memref<64xi32, #tpu.memory_space<vmem>>
      %dma_start3A_229 = arith.constant 0 : i32
      %dma_start3A_230 = arith.constant 0 : i32
      %dma_start3A_231 = tpu.memref_slice %arg12[%dma_start3A_229, %dma_start3A_230] : memref<1024x128xf32, #tpu.memory_space<vmem_shared>> -> memref<1024x128xf32, #tpu.memory_space<vmem_shared>>
      %dma_start3A_232 = tpu.memref_slice %arg15[%rem3A_165] : memref<3x!tpu.dma_semaphore, #tpu.memory_space<semaphore_mem>> -> memref<1x!tpu.dma_semaphore, #tpu.memory_space<semaphore_mem>>
      %dma_start3A_233 = tpu.memref_squeeze %dma_start3A_232 : memref<1x!tpu.dma_semaphore, #tpu.memory_space<semaphore_mem>> -> memref<!tpu.dma_semaphore, #tpu.memory_space<semaphore_mem>>
      tpu.enqueue_indirect_dma source(%dma_start3A_225 : memref<64x128xf32, #tpu.memory_space<vmem>>) target(%dma_start3A_231 : memref<1024x128xf32, #tpu.memory_space<vmem_shared>>) offsets(%dma_start3A_228 : memref<64xi32, #tpu.memory_space<vmem>>) semaphore(%dma_start3A_233 : memref<!tpu.dma_semaphore, #tpu.memory_space<semaphore_mem>>) {add = true}
      %dma_start3A_234 = arith.constant 0 : i32
      %dma_start3A_235 = arith.constant 0 : i32
      %dma_start3A_236 = tpu.memref_slice %arg9[%rem3A_165, %dma_start3A_234, %dma_start3A_235] : memref<3x64x128xf32, #tpu.memory_space<vmem>> -> memref<1x64x128xf32, #tpu.memory_space<vmem>>
      %dma_start3A_237 = tpu.memref_squeeze %dma_start3A_236 : memref<1x64x128xf32, #tpu.memory_space<vmem>> -> memref<64x128xf32, #tpu.memory_space<vmem>>
      %dma_start3A_238 = arith.constant 0 : i32
      %dma_start3A_239 = tpu.memref_slice %arg11[%rem3A_165, %dma_start3A_238] : memref<3x64xi32, #tpu.memory_space<vmem>> -> memref<1x64xi32, #tpu.memory_space<vmem>>
      %dma_start3A_240 = tpu.memref_squeeze %dma_start3A_239 : memref<1x64xi32, #tpu.memory_space<vmem>> -> memref<64xi32, #tpu.memory_space<vmem>>
      %dma_start3A_241 = arith.constant 0 : i32
      %dma_start3A_242 = arith.constant 0 : i32
      %dma_start3A_243 = tpu.memref_slice %arg13[%dma_start3A_241, %dma_start3A_242] : memref<1024x128xf32, #tpu.memory_space<vmem_shared>> -> memref<1024x128xf32, #tpu.memory_space<vmem_shared>>
      %dma_start3A_244 = tpu.memref_slice %arg15[%rem3A_165] : memref<3x!tpu.dma_semaphore, #tpu.memory_space<semaphore_mem>> -> memref<1x!tpu.dma_semaphore, #tpu.memory_space<semaphore_mem>>
      %dma_start3A_245 = tpu.memref_squeeze %dma_start3A_244 : memref<1x!tpu.dma_semaphore, #tpu.memory_space<semaphore_mem>> -> memref<!tpu.dma_semaphore, #tpu.memory_space<semaphore_mem>>
      tpu.enqueue_indirect_dma source(%dma_start3A_237 : memref<64x128xf32, #tpu.memory_space<vmem>>) target(%dma_start3A_243 : memref<1024x128xf32, #tpu.memory_space<vmem_shared>>) offsets(%dma_start3A_240 : memref<64xi32, #tpu.memory_space<vmem>>) semaphore(%dma_start3A_245 : memref<!tpu.dma_semaphore, #tpu.memory_space<semaphore_mem>>) {add = true}
      %scan3A_246 = arith.constant 0 : i32
      scf.yield %scan3A_246 : i32
    }
    %scan3A_100 = arith.constant 32 : i32
    %dma_wait3A = arith.constant 0 : i32
    %dma_wait3A_101 = arith.constant 0 : i32
    %dma_wait3A_102 = arith.constant 0 : i32
    %dma_wait3A_103 = arith.constant 0 : i32
    %dma_wait3A_104 = arith.constant 0 : i32
    %dma_wait3A_105 = tpu.memref_slice %arg8[%dma_wait3A, %dma_wait3A_103, %dma_wait3A_104] : memref<3x64x128xf32, #tpu.memory_space<vmem>> -> memref<1x64x128xf32, #tpu.memory_space<vmem>>
    %dma_wait3A_106 = tpu.memref_squeeze %dma_wait3A_105 : memref<1x64x128xf32, #tpu.memory_space<vmem>> -> memref<64x128xf32, #tpu.memory_space<vmem>>
    %dma_wait3A_107 = arith.constant 0 : i32
    %dma_wait3A_108 = tpu.memref_slice %arg11[%dma_wait3A_101, %dma_wait3A_107] : memref<3x64xi32, #tpu.memory_space<vmem>> -> memref<1x64xi32, #tpu.memory_space<vmem>>
    %dma_wait3A_109 = tpu.memref_squeeze %dma_wait3A_108 : memref<1x64xi32, #tpu.memory_space<vmem>> -> memref<64xi32, #tpu.memory_space<vmem>>
    %dma_wait3A_110 = arith.constant 0 : i32
    %dma_wait3A_111 = arith.constant 0 : i32
    %dma_wait3A_112 = tpu.memref_slice %arg12[%dma_wait3A_110, %dma_wait3A_111] : memref<1024x128xf32, #tpu.memory_space<vmem_shared>> -> memref<1024x128xf32, #tpu.memory_space<vmem_shared>>
    %dma_wait3A_113 = tpu.memref_slice %arg15[%dma_wait3A_102] : memref<3x!tpu.dma_semaphore, #tpu.memory_space<semaphore_mem>> -> memref<1x!tpu.dma_semaphore, #tpu.memory_space<semaphore_mem>>
    %dma_wait3A_114 = tpu.memref_squeeze %dma_wait3A_113 : memref<1x!tpu.dma_semaphore, #tpu.memory_space<semaphore_mem>> -> memref<!tpu.dma_semaphore, #tpu.memory_space<semaphore_mem>>
    tpu.wait_indirect_dma semaphore(%dma_wait3A_114 : memref<!tpu.dma_semaphore, #tpu.memory_space<semaphore_mem>>) src(%dma_wait3A_106 : memref<64x128xf32, #tpu.memory_space<vmem>>) dst(%dma_wait3A_112 : memref<1024x128xf32, #tpu.memory_space<vmem_shared>>)
    %dma_wait3A_115 = arith.constant 0 : i32
    %dma_wait3A_116 = arith.constant 0 : i32
    %dma_wait3A_117 = arith.constant 0 : i32
    %dma_wait3A_118 = arith.constant 0 : i32
    %dma_wait3A_119 = arith.constant 0 : i32
    %dma_wait3A_120 = tpu.memref_slice %arg9[%dma_wait3A_115, %dma_wait3A_118, %dma_wait3A_119] : memref<3x64x128xf32, #tpu.memory_space<vmem>> -> memref<1x64x128xf32, #tpu.memory_space<vmem>>
    %dma_wait3A_121 = tpu.memref_squeeze %dma_wait3A_120 : memref<1x64x128xf32, #tpu.memory_space<vmem>> -> memref<64x128xf32, #tpu.memory_space<vmem>>
    %dma_wait3A_122 = arith.constant 0 : i32
    %dma_wait3A_123 = tpu.memref_slice %arg11[%dma_wait3A_116, %dma_wait3A_122] : memref<3x64xi32, #tpu.memory_space<vmem>> -> memref<1x64xi32, #tpu.memory_space<vmem>>
    %dma_wait3A_124 = tpu.memref_squeeze %dma_wait3A_123 : memref<1x64xi32, #tpu.memory_space<vmem>> -> memref<64xi32, #tpu.memory_space<vmem>>
    %dma_wait3A_125 = arith.constant 0 : i32
    %dma_wait3A_126 = arith.constant 0 : i32
    %dma_wait3A_127 = tpu.memref_slice %arg13[%dma_wait3A_125, %dma_wait3A_126] : memref<1024x128xf32, #tpu.memory_space<vmem_shared>> -> memref<1024x128xf32, #tpu.memory_space<vmem_shared>>
    %dma_wait3A_128 = tpu.memref_slice %arg15[%dma_wait3A_117] : memref<3x!tpu.dma_semaphore, #tpu.memory_space<semaphore_mem>> -> memref<1x!tpu.dma_semaphore, #tpu.memory_space<semaphore_mem>>
    %dma_wait3A_129 = tpu.memref_squeeze %dma_wait3A_128 : memref<1x!tpu.dma_semaphore, #tpu.memory_space<semaphore_mem>> -> memref<!tpu.dma_semaphore, #tpu.memory_space<semaphore_mem>>
    tpu.wait_indirect_dma semaphore(%dma_wait3A_129 : memref<!tpu.dma_semaphore, #tpu.memory_space<semaphore_mem>>) src(%dma_wait3A_121 : memref<64x128xf32, #tpu.memory_space<vmem>>) dst(%dma_wait3A_127 : memref<1024x128xf32, #tpu.memory_space<vmem_shared>>)
    %dma_wait3A_130 = arith.constant 1 : i32
    %dma_wait3A_131 = arith.constant 1 : i32
    %dma_wait3A_132 = arith.constant 1 : i32
    %dma_wait3A_133 = arith.constant 0 : i32
    %dma_wait3A_134 = arith.constant 0 : i32
    %dma_wait3A_135 = tpu.memref_slice %arg8[%dma_wait3A_130, %dma_wait3A_133, %dma_wait3A_134] : memref<3x64x128xf32, #tpu.memory_space<vmem>> -> memref<1x64x128xf32, #tpu.memory_space<vmem>>
    %dma_wait3A_136 = tpu.memref_squeeze %dma_wait3A_135 : memref<1x64x128xf32, #tpu.memory_space<vmem>> -> memref<64x128xf32, #tpu.memory_space<vmem>>
    %dma_wait3A_137 = arith.constant 0 : i32
    %dma_wait3A_138 = tpu.memref_slice %arg11[%dma_wait3A_131, %dma_wait3A_137] : memref<3x64xi32, #tpu.memory_space<vmem>> -> memref<1x64xi32, #tpu.memory_space<vmem>>
    %dma_wait3A_139 = tpu.memref_squeeze %dma_wait3A_138 : memref<1x64xi32, #tpu.memory_space<vmem>> -> memref<64xi32, #tpu.memory_space<vmem>>
    %dma_wait3A_140 = arith.constant 0 : i32
    %dma_wait3A_141 = arith.constant 0 : i32
    %dma_wait3A_142 = tpu.memref_slice %arg12[%dma_wait3A_140, %dma_wait3A_141] : memref<1024x128xf32, #tpu.memory_space<vmem_shared>> -> memref<1024x128xf32, #tpu.memory_space<vmem_shared>>
    %dma_wait3A_143 = tpu.memref_slice %arg15[%dma_wait3A_132] : memref<3x!tpu.dma_semaphore, #tpu.memory_space<semaphore_mem>> -> memref<1x!tpu.dma_semaphore, #tpu.memory_space<semaphore_mem>>
    %dma_wait3A_144 = tpu.memref_squeeze %dma_wait3A_143 : memref<1x!tpu.dma_semaphore, #tpu.memory_space<semaphore_mem>> -> memref<!tpu.dma_semaphore, #tpu.memory_space<semaphore_mem>>
    tpu.wait_indirect_dma semaphore(%dma_wait3A_144 : memref<!tpu.dma_semaphore, #tpu.memory_space<semaphore_mem>>) src(%dma_wait3A_136 : memref<64x128xf32, #tpu.memory_space<vmem>>) dst(%dma_wait3A_142 : memref<1024x128xf32, #tpu.memory_space<vmem_shared>>)
    %dma_wait3A_145 = arith.constant 1 : i32
    %dma_wait3A_146 = arith.constant 1 : i32
    %dma_wait3A_147 = arith.constant 1 : i32
    %dma_wait3A_148 = arith.constant 0 : i32
    %dma_wait3A_149 = arith.constant 0 : i32
    %dma_wait3A_150 = tpu.memref_slice %arg9[%dma_wait3A_145, %dma_wait3A_148, %dma_wait3A_149] : memref<3x64x128xf32, #tpu.memory_space<vmem>> -> memref<1x64x128xf32, #tpu.memory_space<vmem>>
    %dma_wait3A_151 = tpu.memref_squeeze %dma_wait3A_150 : memref<1x64x128xf32, #tpu.memory_space<vmem>> -> memref<64x128xf32, #tpu.memory_space<vmem>>
    %dma_wait3A_152 = arith.constant 0 : i32
    %dma_wait3A_153 = tpu.memref_slice %arg11[%dma_wait3A_146, %dma_wait3A_152] : memref<3x64xi32, #tpu.memory_space<vmem>> -> memref<1x64xi32, #tpu.memory_space<vmem>>
    %dma_wait3A_154 = tpu.memref_squeeze %dma_wait3A_153 : memref<1x64xi32, #tpu.memory_space<vmem>> -> memref<64xi32, #tpu.memory_space<vmem>>
    %dma_wait3A_155 = arith.constant 0 : i32
    %dma_wait3A_156 = arith.constant 0 : i32
    %dma_wait3A_157 = tpu.memref_slice %arg13[%dma_wait3A_155, %dma_wait3A_156] : memref<1024x128xf32, #tpu.memory_space<vmem_shared>> -> memref<1024x128xf32, #tpu.memory_space<vmem_shared>>
    %dma_wait3A_158 = tpu.memref_slice %arg15[%dma_wait3A_147] : memref<3x!tpu.dma_semaphore, #tpu.memory_space<semaphore_mem>> -> memref<1x!tpu.dma_semaphore, #tpu.memory_space<semaphore_mem>>
    %dma_wait3A_159 = tpu.memref_squeeze %dma_wait3A_158 : memref<1x!tpu.dma_semaphore, #tpu.memory_space<semaphore_mem>> -> memref<!tpu.dma_semaphore, #tpu.memory_space<semaphore_mem>>
    tpu.wait_indirect_dma semaphore(%dma_wait3A_159 : memref<!tpu.dma_semaphore, #tpu.memory_space<semaphore_mem>>) src(%dma_wait3A_151 : memref<64x128xf32, #tpu.memory_space<vmem>>) dst(%dma_wait3A_157 : memref<1024x128xf32, #tpu.memory_space<vmem_shared>>)
    "tpu.region"() ({
      %run_scoped3A_160 = tpu.sem_alloc : memref<!tpu.dma_semaphore, #tpu.memory_space<semaphore_mem>>
      %dma_start3A_161 = arith.constant 0 : i32
      %dma_start3A_162 = arith.constant 0 : i32
      %dma_start3A_163 = tpu.memref_slice %arg5[%select_n3A, %select_n3A_30, %dma_start3A_161, %dma_start3A_162] : memref<8x4x64x128xf32, #tpu.memory_space<hbm>> -> memref<1x1x64x128xf32, #tpu.memory_space<hbm>>
      %dma_start3A_164 = tpu.memref_squeeze %dma_start3A_163 : memref<1x1x64x128xf32, #tpu.memory_space<hbm>> -> memref<64x128xf32, #tpu.memory_space<hbm>>
      %dma_start3A_165 = arith.constant 0 : i32
      %dma_start3A_166 = tpu.memref_slice %arg12[%mul3A_34, %dma_start3A_165] : memref<1024x128xf32, #tpu.memory_space<vmem_shared>> -> memref<64x128xf32, #tpu.memory_space<vmem_shared>>
      tpu.enqueue_dma source(%dma_start3A_166 : memref<64x128xf32, #tpu.memory_space<vmem_shared>>) target(%dma_start3A_164 : memref<64x128xf32, #tpu.memory_space<hbm>>) target_semaphore(%run_scoped3A_160 : memref<!tpu.dma_semaphore, #tpu.memory_space<semaphore_mem>>)
      %dma_wait3A_167 = arith.constant 0 : i32
      %dma_wait3A_168 = arith.constant 0 : i32
      %dma_wait3A_169 = tpu.memref_slice %arg5[%select_n3A, %select_n3A_30, %dma_wait3A_167, %dma_wait3A_168] : memref<8x4x64x128xf32, #tpu.memory_space<hbm>> -> memref<1x1x64x128xf32, #tpu.memory_space<hbm>>
      %dma_wait3A_170 = tpu.memref_squeeze %dma_wait3A_169 : memref<1x1x64x128xf32, #tpu.memory_space<hbm>> -> memref<64x128xf32, #tpu.memory_space<hbm>>
      %dma_wait3A_171 = arith.constant 0 : i32
      %dma_wait3A_172 = tpu.memref_slice %arg12[%mul3A_34, %dma_wait3A_171] : memref<1024x128xf32, #tpu.memory_space<vmem_shared>> -> memref<64x128xf32, #tpu.memory_space<vmem_shared>>
      tpu.wait_dma2 semaphore(%run_scoped3A_160 : memref<!tpu.dma_semaphore, #tpu.memory_space<semaphore_mem>>) src(%dma_wait3A_172 : memref<64x128xf32, #tpu.memory_space<vmem_shared>>) dst(%dma_wait3A_170 : memref<64x128xf32, #tpu.memory_space<hbm>>)
      tpu.yield
    }) : () -> ()
    "tpu.region"() ({
      %run_scoped3A_160 = tpu.sem_alloc : memref<!tpu.dma_semaphore, #tpu.memory_space<semaphore_mem>>
      %dma_start3A_161 = arith.constant 0 : i32
      %dma_start3A_162 = arith.constant 0 : i32
      %dma_start3A_163 = tpu.memref_slice %arg6[%select_n3A, %select_n3A_30, %dma_start3A_161, %dma_start3A_162] : memref<8x4x64x128xf32, #tpu.memory_space<hbm>> -> memref<1x1x64x128xf32, #tpu.memory_space<hbm>>
      %dma_start3A_164 = tpu.memref_squeeze %dma_start3A_163 : memref<1x1x64x128xf32, #tpu.memory_space<hbm>> -> memref<64x128xf32, #tpu.memory_space<hbm>>
      %dma_start3A_165 = arith.constant 0 : i32
      %dma_start3A_166 = tpu.memref_slice %arg13[%mul3A_34, %dma_start3A_165] : memref<1024x128xf32, #tpu.memory_space<vmem_shared>> -> memref<64x128xf32, #tpu.memory_space<vmem_shared>>
      tpu.enqueue_dma source(%dma_start3A_166 : memref<64x128xf32, #tpu.memory_space<vmem_shared>>) target(%dma_start3A_164 : memref<64x128xf32, #tpu.memory_space<hbm>>) target_semaphore(%run_scoped3A_160 : memref<!tpu.dma_semaphore, #tpu.memory_space<semaphore_mem>>)
      %dma_wait3A_167 = arith.constant 0 : i32
      %dma_wait3A_168 = arith.constant 0 : i32
      %dma_wait3A_169 = tpu.memref_slice %arg6[%select_n3A, %select_n3A_30, %dma_wait3A_167, %dma_wait3A_168] : memref<8x4x64x128xf32, #tpu.memory_space<hbm>> -> memref<1x1x64x128xf32, #tpu.memory_space<hbm>>
      %dma_wait3A_170 = tpu.memref_squeeze %dma_wait3A_169 : memref<1x1x64x128xf32, #tpu.memory_space<hbm>> -> memref<64x128xf32, #tpu.memory_space<hbm>>
      %dma_wait3A_171 = arith.constant 0 : i32
      %dma_wait3A_172 = tpu.memref_slice %arg13[%mul3A_34, %dma_wait3A_171] : memref<1024x128xf32, #tpu.memory_space<vmem_shared>> -> memref<64x128xf32, #tpu.memory_space<vmem_shared>>
      tpu.wait_dma2 semaphore(%run_scoped3A_160 : memref<!tpu.dma_semaphore, #tpu.memory_space<semaphore_mem>>) src(%dma_wait3A_172 : memref<64x128xf32, #tpu.memory_space<vmem_shared>>) dst(%dma_wait3A_170 : memref<64x128xf32, #tpu.memory_space<hbm>>)
      tpu.yield
    }) : () -> ()
    return
  }
}

module attributes {stable_mosaic.version = 14 : i64} {
  func.func @_tc_stats_kernel(%arg0: i32, %arg1: memref<1x2048x512xf32, #tpu.memory_space<vmem>>, %arg2: memref<1x2048x512xf32, #tpu.memory_space<vmem>>, %arg3: memref<1x1x2048xi32, #tpu.memory_space<vmem>>, %arg4: memref<1x64x3xf32, #tpu.memory_space<vmem>>) attributes {dimension_semantics = [#tpu.dimension_semantics<arbitrary>], iteration_bounds = array<i64: 8>, scalar_prefetch = 0 : i64, scratch_operands = 0 : i64, tpu.core_type = #tpu.core_type<tc>, window_params = [{transform_indices = @transform_0, window_bounds = array<i64: 1, 2048, 512>}, {transform_indices = @transform_1, window_bounds = array<i64: 1, 2048, 512>}, {transform_indices = @transform_2, window_bounds = array<i64: 1, 1, 2048>}, {transform_indices = @transform_3, window_bounds = array<i64: 1, 64, 3>}]} {
    %get3A = arith.constant 0 : index
    %get3A_0 = arith.constant 0 : index
    %get3A_1 = arith.constant 0 : index
    %get3A_2 = vector.load %arg1[%get3A, %get3A_0, %get3A_1] : memref<1x2048x512xf32, #tpu.memory_space<vmem>>, vector<1x2048x512xf32>
    %get3A_3 = vector.shape_cast %get3A_2 : vector<1x2048x512xf32> to vector<2048x512xf32>
    %get3A_4 = arith.constant 0 : index
    %get3A_5 = arith.constant 0 : index
    %get3A_6 = arith.constant 0 : index
    %get3A_7 = vector.load %arg2[%get3A_4, %get3A_5, %get3A_6] : memref<1x2048x512xf32, #tpu.memory_space<vmem>>, vector<1x2048x512xf32>
    %get3A_8 = vector.shape_cast %get3A_7 : vector<1x2048x512xf32> to vector<2048x512xf32>
    %get3A_9 = arith.constant 0 : index
    %get3A_10 = arith.constant 0 : index
    %get3A_11 = arith.constant 0 : index
    %get3A_12 = vector.load %arg3[%get3A_9, %get3A_10, %get3A_11] : memref<1x1x2048xi32, #tpu.memory_space<vmem>>, vector<1x1x2048xi32>
    %get3A_13 = vector.shape_cast %get3A_12 : vector<1x1x2048xi32> to vector<1x2048xi32>
    %bitcast_convert_type3A = tpu.bitcast %get3A_8 : vector<2048x512xf32> -> vector<2048x512xi32>
    %convert_element_type3A = arith.sitofp %bitcast_convert_type3A : vector<2048x512xi32> to vector<2048x512xf32>
    %and3A = arith.constant 8388607 : i32
    %and3A_14 = vector.broadcast %and3A : i32 to vector<2048x512xi32>
    %and3A_15 = arith.andi %bitcast_convert_type3A, %and3A_14 : vector<2048x512xi32>
    %convert_element_type3A_16 = arith.sitofp %and3A_15 : vector<2048x512xi32> to vector<2048x512xf32>
    %mul3A = arith.constant 1.1920929E-7 : f32
    %mul3A_17 = vector.broadcast %mul3A : f32 to vector<2048x512xf32>
    %mul3A_18 = arith.mulf %convert_element_type3A_16, %mul3A_17 : vector<2048x512xf32>
    %mul3A_19 = arith.constant 0.0304490048 : f32
    %mul3A_20 = vector.broadcast %mul3A_19 : f32 to vector<2048x512xf32>
    %mul3A_21 = arith.mulf %mul3A_20, %mul3A_18 : vector<2048x512xf32>
    %add3A = arith.constant -0.131581828 : f32
    %add3A_22 = vector.broadcast %add3A : f32 to vector<2048x512xf32>
    %add3A_23 = arith.addf %mul3A_21, %add3A_22 : vector<2048x512xf32>
    %mul3A_24 = arith.mulf %add3A_23, %mul3A_18 : vector<2048x512xf32>
    %add3A_25 = arith.constant 0.285272688 : f32
    %add3A_26 = vector.broadcast %add3A_25 : f32 to vector<2048x512xf32>
    %add3A_27 = arith.addf %mul3A_24, %add3A_26 : vector<2048x512xf32>
    %mul3A_28 = arith.mulf %add3A_27, %mul3A_18 : vector<2048x512xf32>
    %add3A_29 = arith.constant -0.490230709 : f32
    %add3A_30 = vector.broadcast %add3A_29 : f32 to vector<2048x512xf32>
    %add3A_31 = arith.addf %mul3A_28, %add3A_30 : vector<2048x512xf32>
    %mul3A_32 = arith.mulf %add3A_31, %mul3A_18 : vector<2048x512xf32>
    %add3A_33 = arith.constant 0.306088299 : f32
    %add3A_34 = vector.broadcast %add3A_33 : f32 to vector<2048x512xf32>
    %add3A_35 = arith.addf %mul3A_32, %add3A_34 : vector<2048x512xf32>
    %mul3A_36 = arith.mulf %add3A_35, %mul3A_18 : vector<2048x512xf32>
    %add3A_37 = arith.constant -88.0296783 : f32
    %add3A_38 = vector.broadcast %add3A_37 : f32 to vector<2048x512xf32>
    %add3A_39 = arith.addf %mul3A_36, %add3A_38 : vector<2048x512xf32>
    %mul3A_40 = arith.constant 8.26295832E-8 : f32
    %mul3A_41 = vector.broadcast %mul3A_40 : f32 to vector<2048x512xf32>
    %mul3A_42 = arith.mulf %convert_element_type3A, %mul3A_41 : vector<2048x512xf32>
    %add3A_43 = arith.addf %mul3A_42, %add3A_39 : vector<2048x512xf32>
    %mul3A_44 = arith.mulf %get3A_8, %get3A_3 : vector<2048x512xf32>
    %mul3A_45 = arith.mulf %mul3A_44, %get3A_3 : vector<2048x512xf32>
    %reduce_sum3A = arith.constant dense<0.000000e+00> : vector<2048xf32>
    %reduce_sum3A_46 = vector.multi_reduction <add>, %add3A_43, %reduce_sum3A [1] : vector<2048x512xf32> to vector<2048xf32>
    %reduce_sum3A_47 = arith.constant dense<0.000000e+00> : vector<2048xf32>
    %reduce_sum3A_48 = vector.multi_reduction <add>, %mul3A_45, %reduce_sum3A_47 [1] : vector<2048x512xf32> to vector<2048xf32>
    %iota3A = tpu.iota {dimensions = array<i32: 0>} : vector<64x2048xi32>
    %eq3A = vector.broadcast %get3A_13 : vector<1x2048xi32> to vector<64x2048xi32>
    %eq3A_49 = arith.cmpi eq, %iota3A, %eq3A : vector<64x2048xi32>
    %convert_element_type3A_50 = arith.extui %eq3A_49 : vector<64x2048xi1> to vector<64x2048xi32>
    %convert_element_type3A_51 = arith.sitofp %convert_element_type3A_50 : vector<64x2048xi32> to vector<64x2048xf32>
    %broadcast_in_dim3A = arith.constant 1.000000e+00 : f32
    %broadcast_in_dim3A_52 = vector.broadcast %broadcast_in_dim3A : f32 to vector<2048xf32>
    %stack3A = vector.shape_cast %reduce_sum3A_46 : vector<2048xf32> to vector<2048x1xf32>
    %stack3A_53 = vector.shape_cast %reduce_sum3A_48 : vector<2048xf32> to vector<2048x1xf32>
    %stack3A_54 = vector.shape_cast %broadcast_in_dim3A_52 : vector<2048xf32> to vector<2048x1xf32>
    %stack3A_55 = tpu.concatenate %stack3A, %stack3A_53, %stack3A_54 in 1 : vector<2048x1xf32>, vector<2048x1xf32>, vector<2048x1xf32> -> vector<2048x3xf32>
    %dot_general3A = arith.constant dense<0.000000e+00> : vector<64x3xf32>
    %dot_general3A_56 = tpu.matmul %convert_element_type3A_51, %stack3A_55, %dot_general3A {dimension_numbers = #tpu.dot_dimension_numbers<[1], [0], [0], [1], [0, 0, 1, 1], [], []>, transpose_lhs_hint = false} : vector<64x2048xf32>, vector<2048x3xf32>, vector<64x3xf32> -> vector<64x3xf32>
    %swap3A = arith.constant 0 : index
    %swap3A_57 = arith.constant 0 : index
    %swap3A_58 = arith.constant 0 : index
    %swap3A_59 = vector.load %arg4[%swap3A, %swap3A_57, %swap3A_58] : memref<1x64x3xf32, #tpu.memory_space<vmem>>, vector<1x64x3xf32>
    %swap3A_60 = vector.shape_cast %swap3A_59 : vector<1x64x3xf32> to vector<64x3xf32>
    %swap3A_61 = vector.shape_cast %dot_general3A_56 : vector<64x3xf32> to vector<1x64x3xf32>
    tpu.vector_store %arg4[%swap3A, %swap3A_57, %swap3A_58], %swap3A_61 {strides = array<i32>} : memref<1x64x3xf32, #tpu.memory_space<vmem>>, vector<1x64x3xf32>,
    return
  }
  func.func @transform_0(%arg0: i32) -> (i32, i32, i32) {
    %c0_i32 = arith.constant 0 : i32
    %c0_i32_0 = arith.constant 0 : i32
    %c0_i32_1 = arith.constant 0 : i32
    return %arg0, %c0_i32, %c0_i32_0 : i32, i32, i32
  }
  func.func @transform_1(%arg0: i32) -> (i32, i32, i32) {
    %c0_i32 = arith.constant 0 : i32
    %c0_i32_0 = arith.constant 0 : i32
    %c0_i32_1 = arith.constant 0 : i32
    return %arg0, %c0_i32, %c0_i32_0 : i32, i32, i32
  }
  func.func @transform_2(%arg0: i32) -> (i32, i32, i32) {
    %c0_i32 = arith.constant 0 : i32
    %c0_i32_0 = arith.constant 0 : i32
    %c0_i32_1 = arith.constant 0 : i32
    return %arg0, %c0_i32, %c0_i32_0 : i32, i32, i32
  }
  func.func @transform_3(%arg0: i32) -> (i32, i32, i32) {
    %c0_i32 = arith.constant 0 : i32
    %c0_i32_0 = arith.constant 0 : i32
    %c0_i32_1 = arith.constant 0 : i32
    return %arg0, %c0_i32, %c0_i32_0 : i32, i32, i32
  }
}

module attributes {stable_mosaic.version = 14 : i64} {
  func.func @_tc_fin_kernel(%arg0: i32, %arg1: i32, %arg2: memref<1x1x64x128xf32, #tpu.memory_space<vmem>>, %arg3: memref<1x1x64x128xf32, #tpu.memory_space<vmem>>, %arg4: memref<1x64x3xf32, #tpu.memory_space<vmem>>, %arg5: memref<1x64x128xf32, #tpu.memory_space<vmem>>, %arg6: memref<1x64x128xf32, #tpu.memory_space<vmem>>, %arg7: memref<1x8x64xf32, #tpu.memory_space<vmem>>) attributes {dimension_semantics = [#tpu.dimension_semantics<arbitrary>, #tpu.dimension_semantics<arbitrary>], iteration_bounds = array<i64: 8, 4>, scalar_prefetch = 0 : i64, scratch_operands = 0 : i64, tpu.core_type = #tpu.core_type<tc>, window_params = [{transform_indices = @transform_0, window_bounds = array<i64: 1, 1, 64, 128>}, {transform_indices = @transform_1, window_bounds = array<i64: 1, 1, 64, 128>}, {transform_indices = @transform_2, window_bounds = array<i64: 1, 64, 3>}, {transform_indices = @transform_3, window_bounds = array<i64: 1, 64, 128>}, {transform_indices = @transform_4, window_bounds = array<i64: 1, 64, 128>}, {transform_indices = @transform_5, window_bounds = array<i64: 1, 8, 64>}]} {
    %get3A = arith.constant 0 : index
    %get3A_0 = arith.constant 0 : index
    %get3A_1 = arith.constant 0 : index
    %get3A_2 = arith.constant 0 : index
    %get3A_3 = vector.load %arg2[%get3A, %get3A_0, %get3A_1, %get3A_2] : memref<1x1x64x128xf32, #tpu.memory_space<vmem>>, vector<1x1x64x128xf32>
    %get3A_4 = vector.shape_cast %get3A_3 : vector<1x1x64x128xf32> to vector<64x128xf32>
    %get3A_5 = arith.constant 0 : index
    %get3A_6 = arith.constant 0 : index
    %get3A_7 = arith.constant 0 : index
    %get3A_8 = arith.constant 0 : index
    %get3A_9 = vector.load %arg3[%get3A_5, %get3A_6, %get3A_7, %get3A_8] : memref<1x1x64x128xf32, #tpu.memory_space<vmem>>, vector<1x1x64x128xf32>
    %get3A_10 = vector.shape_cast %get3A_9 : vector<1x1x64x128xf32> to vector<64x128xf32>
    %div3A = arith.divf %get3A_10, %get3A_4 : vector<64x128xf32>
    %swap3A = arith.constant 0 : index
    %swap3A_11 = arith.constant 0 : index
    %swap3A_12 = arith.constant 0 : index
    %swap3A_13 = vector.load %arg5[%swap3A, %swap3A_11, %swap3A_12] : memref<1x64x128xf32, #tpu.memory_space<vmem>>, vector<1x64x128xf32>
    %swap3A_14 = vector.shape_cast %swap3A_13 : vector<1x64x128xf32> to vector<64x128xf32>
    %swap3A_15 = vector.shape_cast %get3A_4 : vector<64x128xf32> to vector<1x64x128xf32>
    tpu.vector_store %arg5[%swap3A, %swap3A_11, %swap3A_12], %swap3A_15 {strides = array<i32>} : memref<1x64x128xf32, #tpu.memory_space<vmem>>, vector<1x64x128xf32>,
    %swap3A_16 = arith.constant 0 : index
    %swap3A_17 = arith.constant 0 : index
    %swap3A_18 = arith.constant 0 : index
    %swap3A_19 = vector.load %arg6[%swap3A_16, %swap3A_17, %swap3A_18] : memref<1x64x128xf32, #tpu.memory_space<vmem>>, vector<1x64x128xf32>
    %swap3A_20 = vector.shape_cast %swap3A_19 : vector<1x64x128xf32> to vector<64x128xf32>
    %swap3A_21 = vector.shape_cast %div3A : vector<64x128xf32> to vector<1x64x128xf32>
    tpu.vector_store %arg6[%swap3A_16, %swap3A_17, %swap3A_18], %swap3A_21 {strides = array<i32>} : memref<1x64x128xf32, #tpu.memory_space<vmem>>, vector<1x64x128xf32>,
    %mul3A = arith.mulf %get3A_10, %div3A : vector<64x128xf32>
    %bitcast_convert_type3A = tpu.bitcast %get3A_4 : vector<64x128xf32> -> vector<64x128xi32>
    %convert_element_type3A = arith.sitofp %bitcast_convert_type3A : vector<64x128xi32> to vector<64x128xf32>
    %and3A = arith.constant 8388607 : i32
    %and3A_22 = vector.broadcast %and3A : i32 to vector<64x128xi32>
    %and3A_23 = arith.andi %bitcast_convert_type3A, %and3A_22 : vector<64x128xi32>
    %convert_element_type3A_24 = arith.sitofp %and3A_23 : vector<64x128xi32> to vector<64x128xf32>
    %mul3A_25 = arith.constant 1.1920929E-7 : f32
    %mul3A_26 = vector.broadcast %mul3A_25 : f32 to vector<64x128xf32>
    %mul3A_27 = arith.mulf %convert_element_type3A_24, %mul3A_26 : vector<64x128xf32>
    %mul3A_28 = arith.constant 0.0304490048 : f32
    %mul3A_29 = vector.broadcast %mul3A_28 : f32 to vector<64x128xf32>
    %mul3A_30 = arith.mulf %mul3A_29, %mul3A_27 : vector<64x128xf32>
    %add3A = arith.constant -0.131581828 : f32
    %add3A_31 = vector.broadcast %add3A : f32 to vector<64x128xf32>
    %add3A_32 = arith.addf %mul3A_30, %add3A_31 : vector<64x128xf32>
    %mul3A_33 = arith.mulf %add3A_32, %mul3A_27 : vector<64x128xf32>
    %add3A_34 = arith.constant 0.285272688 : f32
    %add3A_35 = vector.broadcast %add3A_34 : f32 to vector<64x128xf32>
    %add3A_36 = arith.addf %mul3A_33, %add3A_35 : vector<64x128xf32>
    %mul3A_37 = arith.mulf %add3A_36, %mul3A_27 : vector<64x128xf32>
    %add3A_38 = arith.constant -0.490230709 : f32
    %add3A_39 = vector.broadcast %add3A_38 : f32 to vector<64x128xf32>
    %add3A_40 = arith.addf %mul3A_37, %add3A_39 : vector<64x128xf32>
    %mul3A_41 = arith.mulf %add3A_40, %mul3A_27 : vector<64x128xf32>
    %add3A_42 = arith.constant 0.306088299 : f32
    %add3A_43 = vector.broadcast %add3A_42 : f32 to vector<64x128xf32>
    %add3A_44 = arith.addf %mul3A_41, %add3A_43 : vector<64x128xf32>
    %mul3A_45 = arith.mulf %add3A_44, %mul3A_27 : vector<64x128xf32>
    %add3A_46 = arith.constant -88.0296783 : f32
    %add3A_47 = vector.broadcast %add3A_46 : f32 to vector<64x128xf32>
    %add3A_48 = arith.addf %mul3A_45, %add3A_47 : vector<64x128xf32>
    %mul3A_49 = arith.constant 8.26295832E-8 : f32
    %mul3A_50 = vector.broadcast %mul3A_49 : f32 to vector<64x128xf32>
    %mul3A_51 = arith.mulf %convert_element_type3A, %mul3A_50 : vector<64x128xf32>
    %add3A_52 = arith.addf %mul3A_51, %add3A_48 : vector<64x128xf32>
    %sub3A = arith.subf %mul3A, %add3A_52 : vector<64x128xf32>
    %reduce_sum3A = arith.constant dense<0.000000e+00> : vector<64xf32>
    %reduce_sum3A_53 = vector.multi_reduction <add>, %sub3A, %reduce_sum3A [1] : vector<64x128xf32> to vector<64xf32>
    %mul3A_54 = arith.constant 5.000000e-01 : f32
    %mul3A_55 = vector.broadcast %mul3A_54 : f32 to vector<64xf32>
    %mul3A_56 = arith.mulf %mul3A_55, %reduce_sum3A_53 : vector<64xf32>
    %eq3A = arith.constant 0 : i32
    %eq3A_57 = arith.cmpi eq, %arg1, %eq3A : i32
    %convert_element_type3A_58 = arith.extui %eq3A_57 : i1 to i32
    %cond3A = arith.constant 0 : i32
    %cond3A_59 = arith.cmpi ne, %convert_element_type3A_58, %cond3A : i32
    scf.if %cond3A_59 {
      %get3A_72 = arith.constant 0 : index
      %get3A_73 = arith.constant 0 : index
      %get3A_74 = arith.constant 0 : index
      %get3A_75 = vector.load %arg4[%get3A_72, %get3A_73, %get3A_74] : memref<1x64x3xf32, #tpu.memory_space<vmem>>, vector<1x64x3xf32>
      %get3A_76 = vector.shape_cast %get3A_75 : vector<1x64x3xf32> to vector<64x3xf32>
      %slice3A = vector.extract_strided_slice %get3A_76 {offsets = [0, 2], sizes = [64, 1], strides = [1, 1]} : vector<64x3xf32> to vector<64x1xf32>
      %squeeze3A = vector.shape_cast %slice3A : vector<64x1xf32> to vector<64xf32>
      %max3A = arith.constant 1.000000e+00 : f32
      %max3A_77 = vector.broadcast %max3A : f32 to vector<64xf32>
      %max3A_78 = arith.maximumf %squeeze3A, %max3A_77 : vector<64xf32>
      %sub3A_79 = arith.constant 1.000000e+00 : f32
      %sub3A_80 = vector.broadcast %sub3A_79 : f32 to vector<64xf32>
      %sub3A_81 = arith.subf %sub3A_80, %max3A_78 : vector<64xf32>
      %mul3A_82 = arith.constant 5.000000e-01 : f32
      %mul3A_83 = vector.broadcast %mul3A_82 : f32 to vector<64xf32>
      %mul3A_84 = arith.mulf %mul3A_83, %sub3A_81 : vector<64xf32>
      %mul3A_85 = arith.constant 940.993041 : f32
      %mul3A_86 = vector.broadcast %mul3A_85 : f32 to vector<64xf32>
      %mul3A_87 = arith.mulf %mul3A_84, %mul3A_86 : vector<64xf32>
      %slice3A_88 = vector.extract_strided_slice %get3A_76 {offsets = [0, 0], sizes = [64, 1], strides = [1, 1]} : vector<64x3xf32> to vector<64x1xf32>
      %squeeze3A_89 = vector.shape_cast %slice3A_88 : vector<64x1xf32> to vector<64xf32>
      %mul3A_90 = arith.constant 5.000000e-01 : f32
      %mul3A_91 = vector.broadcast %mul3A_90 : f32 to vector<64xf32>
      %mul3A_92 = arith.mulf %mul3A_91, %squeeze3A_89 : vector<64xf32>
      %add3A_93 = arith.addf %mul3A_87, %mul3A_92 : vector<64xf32>
      %slice3A_94 = vector.extract_strided_slice %get3A_76 {offsets = [0, 1], sizes = [64, 1], strides = [1, 1]} : vector<64x3xf32> to vector<64x1xf32>
      %squeeze3A_95 = vector.shape_cast %slice3A_94 : vector<64x1xf32> to vector<64xf32>
      %mul3A_96 = arith.constant 5.000000e-01 : f32
      %mul3A_97 = vector.broadcast %mul3A_96 : f32 to vector<64xf32>
      %mul3A_98 = arith.mulf %mul3A_97, %squeeze3A_95 : vector<64xf32>
      %sub3A_99 = arith.subf %add3A_93, %mul3A_98 : vector<64xf32>
      %iota3A = tpu.iota {dimensions = array<i32: 0>} : vector<8x64xi32>
      %eq3A_100 = arith.constant 0 : i32
      %eq3A_101 = vector.broadcast %eq3A_100 : i32 to vector<8x64xi32>
      %eq3A_102 = arith.cmpi eq, %iota3A, %eq3A_101 : vector<8x64xi32>
      %broadcast_in_dim3A = vector.shape_cast %sub3A_99 : vector<64xf32> to vector<1x64xf32>
      %jit3A = arith.constant 0.000000e+00 : f32
      %broadcast_in_dim3A_103 = vector.shape_cast %broadcast_in_dim3A : vector<1x64xf32> to vector<1x64xf32>
      %broadcast_in_dim3A_104 = vector.broadcast %broadcast_in_dim3A_103 : vector<1x64xf32> to vector<8x64xf32>
      %broadcast_in_dim3A_105 = vector.broadcast %jit3A : f32 to vector<8x64xf32>
      %select_n3A = arith.select %eq3A_102, %broadcast_in_dim3A_104, %broadcast_in_dim3A_105 : vector<8x64xi1>, vector<8x64xf32>
      %swap3A_106 = arith.constant 0 : index
      %swap3A_107 = arith.constant 0 : index
      %swap3A_108 = arith.constant 0 : index
      %swap3A_109 = vector.load %arg7[%swap3A_106, %swap3A_107, %swap3A_108] : memref<1x8x64xf32, #tpu.memory_space<vmem>>, vector<1x8x64xf32>
      %swap3A_110 = vector.shape_cast %swap3A_109 : vector<1x8x64xf32> to vector<8x64xf32>
      %swap3A_111 = vector.shape_cast %select_n3A : vector<8x64xf32> to vector<1x8x64xf32>
      tpu.vector_store %arg7[%swap3A_106, %swap3A_107, %swap3A_108], %swap3A_111 {strides = array<i32>} : memref<1x8x64xf32, #tpu.memory_space<vmem>>, vector<1x8x64xf32>,
    } else {
    }
    %get3A_60 = arith.constant 0 : index
    %get3A_61 = arith.constant 0 : index
    %get3A_62 = arith.constant 0 : index
    %get3A_63 = vector.load %arg7[%get3A_60, %get3A_61, %get3A_62] : memref<1x8x64xf32, #tpu.memory_space<vmem>>, vector<1x1x64xf32>
    %get3A_64 = vector.shape_cast %get3A_63 : vector<1x1x64xf32> to vector<64xf32>
    %add3A_65 = arith.addf %get3A_64, %mul3A_56 : vector<64xf32>
    %swap3A_66 = arith.constant 0 : index
    %swap3A_67 = arith.constant 0 : index
    %swap3A_68 = arith.constant 0 : index
    %swap3A_69 = vector.load %arg7[%swap3A_66, %swap3A_67, %swap3A_68] : memref<1x8x64xf32, #tpu.memory_space<vmem>>, vector<1x1x64xf32>
    %swap3A_70 = vector.shape_cast %swap3A_69 : vector<1x1x64xf32> to vector<64xf32>
    %swap3A_71 = vector.shape_cast %add3A_65 : vector<64xf32> to vector<1x1x64xf32>
    tpu.vector_store %arg7[%swap3A_66, %swap3A_67, %swap3A_68], %swap3A_71 {strides = array<i32>} : memref<1x8x64xf32, #tpu.memory_space<vmem>>, vector<1x1x64xf32>,
    return
  }
  func.func @transform_0(%arg0: i32, %arg1: i32) -> (i32, i32, i32, i32) {
    %c0_i32 = arith.constant 0 : i32
    %c0_i32_0 = arith.constant 0 : i32
    %c0_i32_1 = arith.constant 0 : i32
    return %arg0, %arg1, %c0_i32, %c0_i32_0 : i32, i32, i32, i32
  }
  func.func @transform_1(%arg0: i32, %arg1: i32) -> (i32, i32, i32, i32) {
    %c0_i32 = arith.constant 0 : i32
    %c0_i32_0 = arith.constant 0 : i32
    %c0_i32_1 = arith.constant 0 : i32
    return %arg0, %arg1, %c0_i32, %c0_i32_0 : i32, i32, i32, i32
  }
  func.func @transform_2(%arg0: i32, %arg1: i32) -> (i32, i32, i32) {
    %c0_i32 = arith.constant 0 : i32
    %c0_i32_0 = arith.constant 0 : i32
    %c0_i32_1 = arith.constant 0 : i32
    return %arg0, %c0_i32, %c0_i32_0 : i32, i32, i32
  }
  func.func @transform_3(%arg0: i32, %arg1: i32) -> (i32, i32, i32) {
    %c0_i32 = arith.constant 0 : i32
    %c0_i32_0 = arith.constant 0 : i32
    return %arg0, %c0_i32, %arg1 : i32, i32, i32
  }
  func.func @transform_4(%arg0: i32, %arg1: i32) -> (i32, i32, i32) {
    %c0_i32 = arith.constant 0 : i32
    %c0_i32_0 = arith.constant 0 : i32
    return %arg0, %c0_i32, %arg1 : i32, i32, i32
  }
  func.func @transform_5(%arg0: i32, %arg1: i32) -> (i32, i32, i32) {
    %c0_i32 = arith.constant 0 : i32
    %c0_i32_0 = arith.constant 0 : i32
    %c0_i32_1 = arith.constant 0 : i32
    return %arg0, %c0_i32, %c0_i32_0 : i32, i32, i32
  }
}

</mosaic_0001>

<sc_bundles>
// kernel: kernel.5.cloned.1.call-start
scs
__scs_entry_jumppad:
0x0: {  	(pc) =	sbr.rel $0x88, $3  }
0x1: {  	(tag) =	ssettag $0x0;
	lr =	simm.s32 $0x1  }
0x2: {  	[smem:$0x3F9E] =	sst lr;
	_ =	strace $0xD0000000  }
0x3: {  	_ = 	snop  }
0x4: {  	_ = 	snop  }
0x5: {  	_ = 	snop  }
0x6: {  	_ = 	snop  }
0x7: {  	_ = 	snop  }
__scs_overlays_trampoline_lowered:
0x8: {  	[smem:$0x3FAD] =	sst s0  }
0x9: {  	[smem:$0x3FAE] =	sst s1  }
0xa: {  	[smem:$0x3FAF] =	sst s2  }
0xb: {  	[smem:$0x3FB0] =	sst s3  }
0xc: {  	[smem:$0x3FB1] =	sst s4  }
0xd: {  	[smem:$0x3FB2] =	sst s5  }
0xe: {  	[smem:$0x3FB3] =	sst s6  }
0xf: {  	[smem:$0x3FB4] =	sst s7  }
0x10: {  	[smem:$0x3FB5] =	sst s8  }
0x11: {  	[smem:$0x3FB6] =	sst s9;
	s0 =	simm.s32 @!p0 $0x0  }
0x12: {  	s1 =	sld [smem:$0x3F9C];
	s0 =	simm.s32 @p0 $0x1  }
0x13: {  	[smem:$0x3FB7] =	sst s0;
	s0 =	simm.s32 @!p1 $0x0  }
0x14: {  	s2 =	sld [smem:$0x3F9B];
	s0 =	simm.s32 @p1 $0x1  }
0x15: {  	[smem:$0x3FB8] =	sst s0;
	s0 =	simm.s32 @!p2 $0x0  }
0x16: {  	s3 =	sld [smem:$0x3FDB];
	s0 =	simm.s32 @p2 $0x1  }
0x17: {  	s4 =	simm.s32 $0x1BF5;
	[smem:$0x3FBA] =	sst s0  }
0x18: {  	s0 =	sld [smem:$0x3F9D];
	_ =	swait.ge [sflag:s4], $0x0  }
0x19: {  	s7 =	sld [smem:$0x3F9E]  }
0x1a: {  	s8 =	sadd.s32 $0xFFFFE003, lr  }
0x1b: {  	s9 =	sadd.s32 $0xFFFFFEF7, lr;
	s5 =	simm.s32 $0xFFFFFFFF;
	p2 =	slt.u32 s8, $0xFFFFF086  }
0x1c: {  	p1 =	slt.u32 s9, $0xF7A;
	s5 =	simm.s32 @!p2 $0x0  }
0x1d: {  	s5 =	simm.s32 @p1 $0x1;
	p0 =	seq.s32 s7, s2  }
0x1e: {  	s7 =	smul.u32 @!p0 $0xF7A, s2;
	p2 =	seq.s32 @!p0 s5, $0x0  }
0x1f: {  	s9 =	smul.u32 $0xF7A, s1;
	s8 =	simm.s32 @!p0 $0x1BF5;
	p2 =	por !p2, p0  }
0x20: {  	[sflag:s8] =	ssyncset.s32 @!p0 $0xFFFFF086;
	s6 =	sadd.s32 @!p0 s3, s7;
	s7 =	simm.s32 @!p0 $0x108  }
0x21: {  	s3 =	sadd.s32 s3, s9;
	s6 =	sadd.s32 @!p0 $0x88, s6;
	s7 =	simm.s32 @p2 $0x1082  }
0x22: {  	[simem:s7], [sflag:s8] =	dma.local @!p0 [hbm:s6], $0xF7A  }
0x23: {  	s9 =	sor.u32 $0xD0000000, s2;
	s6 =	simm.s32 $0x108;
	_ =	swait.ge @!p0 [sflag:s8], $0x0  }
0x24: {  	s3 =	sadd.s32 $0x88, s3;
	s6 =	simm.s32 @!p1 $0x1082;
	[sflag:s4] =	ssyncset.s32 $0xFFFFF086  }
0x25: {  	[simem:s6], [sflag:s4] =	dma.local [hbm:s3], $0xF7A  }
0x26: {  	[smem:$0x3F9E] =	sst s1;
	(tag) =	ssettag s2;
	_ =	strace s9  }
0x27: {  	s1 =	sld [smem:$0x3FAE]  }
0x28: {  	s2 =	sld [smem:$0x3FAF]  }
0x29: {  	s4 =	sld [smem:$0x3FB1]  }
0x2a: {  	p0 =	seq.s32 s5, $0x0;
	s5 =	sld [smem:$0x3FB2]  }
0x2b: {  	s6 =	sld [smem:$0x3FB3]  }
0x2c: {  	s7 =	sld [smem:$0x3FB4]  }
0x2d: {  	s3 =	simm.s32 $0x108;
	s8 =	sld [smem:$0x3FB5]  }
0x2e: {  	s3 =	simm.s32 @!p0 $0x1082;
	s9 =	sld [smem:$0x3FB6]  }
0x2f: {  	lr =	sadd.s32 s0, s3;
	s0 =	sld [smem:$0x3FAD]  }
0x30: {  	s3 =	sld [smem:$0x3FB0]  }
0x31: {  	[smem:$0x3FB9] =	sst s10  }
0x32: {  	s10 =	sld [smem:$0x3FB7];
	_ =	sdelay $0x3  }
0x33: {  	p0 =	seq.s32 s10, $0x1;
	s10 =	sld [smem:$0x3FB9];
	_ =	sdelay $0x3  }
0x34: {  	[smem:$0x3FB9] =	sst s10  }
0x35: {  	s10 =	sld [smem:$0x3FB8];
	_ =	sdelay $0x3  }
0x36: {  	p1 =	seq.s32 s10, $0x1;
	s10 =	sld [smem:$0x3FB9];
	_ =	sdelay $0x3  }
0x37: {  	[smem:$0x3FB9] =	sst s10  }
0x38: {  	s10 =	sld [smem:$0x3FBA]  }
0x39: {  	_ = 	snop;
	(pc) =	sbr.ind lr, $3  }
0x3a: {  	_ = 	snop  }
0x3b: {  	_ = 	snop  }
0x3c: {  	p2 =	seq.s32 s10, $0x1;
	s10 =	sld [smem:$0x3FB9]  }
0x3d: {  	_ =	shalt  }
0x3e: {  	_ =	shalt  }
0x3f: {  	_ =	shalt  }
0x40: {  	_ =	shalt  }
0x41: {  	_ =	shalt  }
0x42: {  	_ =	shalt  }
0x43: {  	_ =	shalt  }
0x44: {  	_ =	shalt  }
0x45: {  	_ =	shalt  }
0x46: {  	_ =	shalt  }
0x47: {  	_ =	shalt  }
0x48: {  	_ =	shalt  }
0x49: {  	_ =	shalt  }
0x4a: {  	_ =	shalt  }
0x4b: {  	_ =	shalt  }
0x4c: {  	_ =	shalt  }
0x4d: {  	_ =	shalt  }
0x4e: {  	_ =	shalt  }
0x4f: {  	_ =	shalt  }
0x50: {  	_ =	shalt  }
0x51: {  	_ =	shalt  }
0x52: {  	_ =	shalt  }
0x53: {  	_ =	shalt  }
0x54: {  	_ =	shalt  }
0x55: {  	_ =	shalt  }
0x56: {  	_ =	shalt  }
0x57: {  	_ =	shalt  }
0x58: {  	_ =	shalt  }
0x59: {  	_ =	shalt  }
0x5a: {  	_ =	shalt  }
0x5b: {  	_ =	shalt  }
0x5c: {  	_ =	shalt  }
0x5d: {  	_ =	shalt  }
0x5e: {  	_ =	shalt  }
0x5f: {  	_ =	shalt  }
0x60: {  	_ =	shalt  }
0x61: {  	_ =	shalt  }
0x62: {  	_ =	shalt  }
0x63: {  	_ =	shalt  }
0x64: {  	_ =	shalt  }
0x65: {  	_ =	shalt  }
0x66: {  	_ =	shalt  }
0x67: {  	_ =	shalt  }
0x68: {  	_ =	shalt  }
0x69: {  	_ =	shalt  }
0x6a: {  	_ =	shalt  }
0x6b: {  	_ =	shalt  }
0x6c: {  	_ =	shalt  }
0x6d: {  	_ =	shalt  }
0x6e: {  	_ =	shalt  }
0x6f: {  	_ =	shalt  }
0x70: {  	_ =	shalt  }
0x71: {  	_ =	shalt  }
0x72: {  	_ =	shalt  }
0x73: {  	_ =	shalt  }
0x74: {  	_ =	shalt  }
0x75: {  	_ =	shalt  }
0x76: {  	_ =	shalt  }
0x77: {  	_ =	shalt  }
0x78: {  	_ =	shalt  }
0x79: {  	_ =	shalt  }
0x7a: {  	_ =	shalt  }
0x7b: {  	_ =	shalt  }
0x7c: {  	_ =	shalt  }
0x7d: {  	_ =	shalt  }
0x7e: {  	_ =	shalt  }
0x7f: {  	_ =	shalt  }
0x80: {  	_ =	shalt  }
0x81: {  	_ =	shalt  }
0x82: {  	_ =	shalt  }
0x83: {  	_ =	shalt  }
0x84: {  	_ =	shalt  }
0x85: {  	_ =	shalt  }
0x86: {  	_ =	shalt  }
0x87: {  	_ =	shalt  }
.Lfunc_end0:
.L_simem_size_0:
called_computation_lowered:
.L_overlay_start_0:
0x88: {  	s2 =	sld [smem:$0x3FD9]  }
0x89: {  	s3 =	sld [smem:$0x3FFE];
	_ =	sdelay $0x1  }
0x8a: {  	s1 =	srdreg.scid  }
0x8b: {  	s0 =	sand.u32 $0x1, s1  }
0x8c: {  	s15 =	sshll.u32 s0, $0xA;
	s2 =	sadd.s32 s3, s2  }
0x8d: {  	s2 =	sadd.s32 s2, s15  }
0x8e: {  	[smem:$0x3FC5] =	sst s2  }
0x8f: {  	_ = 	snop  }
0x90: {  	s2 =	sld [smem:$0x3FD0]  }
0x91: {  	s16 =	sld [smem:$0x3FC9]  }
0x92: {  	s4 =	sld [smem:$0x3FC8]  }
0x93: {  	s6 =	simm.s32 $0xA;
	s7 =	simm.s32 $0x10;
	s5 =	sld [smem:$0x3FC7]  }
0x94: {  	[smem:s7], [sflag:s6] =	dma.local [hbm:s2], $0x1  }
0x95: {  	_ =	swait.eq [sflag:s6], $0x1  }
0x96: {  	[sflag:s6] =	ssyncset.done $0x0  }
0x97: {  	s17 =	sld [smem:$0x10];
	[sflag:s6] =	ssyncadd.s32 $0xFFFFFFFF  }
0x98: {  	s18 =	sld [smem:$0x11];
	(tm) =	ssettm $0x1  }
0x99: {  	s19 =	sld [smem:$0x3FFB];
	_ =	sdelay $0x3  }
0x9a: {  	_ =	strace s19  }
0x9b: {  	s7 =	sld [smem:$0x3FFC];
	_ =	sdelay $0x3  }
0x9c: {  	_ =	strace s7  }
0x9d: {  	s7 =	sld [smem:$0x3FFD];
	_ =	sdelay $0x3  }
0x9e: {  	_ =	strace s7  }
0x9f: {  	_ =	strace $0x8FFFFFFF  }
0xa0: {  	s20 =	sld [smem:$0x3FDB];
	_ =	sdelay $0x1  }
0xa1: {  	s8 =	simm.s32 $_scs_section_size  }
0xa2: {  	s9 =	simm.s32 $_size__tile_overlayer_lowered;
	s10 =	simm.s32 $_tile_overlayer_lowered  }
0xa3: {  	s23 =	simm.s32 $0x1BFF;
	s22 =	sshll.u32 s10, $0x1;
	s7 =	sadd.s32 s8, s20  }
0xa4: {  	s11 =	simm.s32 $0x0;
	s21 =	sshll.u32 s9, $0x1;
	s9 =	sadd.s32 s22, s7  }
0xa5: {  	[timem:s11], [sflag:s23] =	dma.local [hbm:s9], s21  }
0xa6: {  	_ =	swait.ge [sflag:s23], s21  }
0xa7: {  	s8 =	ssub.s32 $0x0, s21;
	[sflag:s23] =	ssyncset.done $0x0  }
0xa8: {  	[sflag:s23] =	ssyncadd.s32 s8;
	_ =	sdelay $0x1  }
0xa9: {  	s24 =	simm.s32 $0x1B8B  }
0xaa: {  	_ =	swait.ge [sflag:s24], $0x1  }
0xab: {  	[sflag:s24] =	ssyncset.done $0x0  }
0xac: {  	s25 =	simm.s32 $0x1B8E;
	[sflag:s24] =	ssyncadd.s32 $0xFFFFFFFF  }
0xad: {  	s26 =	simm.s32 $execute0_lowered;
	[smem:$0x3FD2] =	sst s25  }
0xae: {  	s8 =	sshll.u32 s26, $0x1;
	_ =	strace $0x80000046;
	[dreg:$0x1] =	wrdreg $0xFFFFFFFF  }
0xaf: {  	s28 =	simm.s32 $_size_execute0_lowered;
	s7 =	sadd.s32 s7, s8;
	[dreg:$0x0] =	wrdreg $0x0  }
0xb0: {  	s8 =	sshll.u32 s28, $0x1;
	[dreg:$0x2] =	wrdreg s7  }
0xb1: {  	[dreg:$0x3] =	wrdreg s8  }
0xb2: {  	[dreg:$0x4] =	wrdreg $0xC0  }
0xb3: {  	_ =	task [dreg:s11], $0x5FFFF  }
0xb4: {  	[dreg:$0x1] =	wrdreg $0xFFFFFFFF  }
0xb5: {  	[dreg:$0x0] =	wrdreg $0x60  }
0xb6: {  	[dreg:$0x2] =	wrdreg s16  }
0xb7: {  	[dreg:$0x3] =	wrdreg s4  }
0xb8: {  	[dreg:$0x4] =	wrdreg s5  }
0xb9: {  	[dreg:$0x5] =	wrdreg s17  }
0xba: {  	[dreg:$0x6] =	wrdreg s18  }
0xbb: {  	[dreg:$0x7] =	wrdreg $0x104000  }
0xbc: {  	[dreg:$0x8] =	wrdreg $0x124000  }
0xbd: {  	[dreg:$0x9] =	wrdreg $0x9  }
0xbe: {  	_ =	task.clear_ibuf [dreg:s11], $0xAFFFF;
	_ =	strace $0x90000046  }
0xbf: {  	s29 =	simm.s32 $0x9;
	_ =	strace $0x80000048  }
0xc0: {  	_ =	swait.ge [sflag:s29], $0x1  }
0xc1: {  	[sflag:s29] =	ssyncadd.s32 $0xFFFFFFFF  }
0xc2: {  	_ =	strace $0x90000048  }
0xc3: {  	_ =	sfence  }
0xc4: {  	s30 =	sld [smem:$0x0];
	_ =	sdelay $0x2  }
0xc5: {  	s31 =	sshll.u32 s1, $0xD;
	s1 =	sshrl.u32 s1, $0x2  }
0xc6: {  	s3 =	sand.u32 $0x4000, s31;
	s1 =	sadd.s32 s1, s30  }
0xc7: {  	s0 =	sor.u32 s3, s0;
	s1 =	sshll.u32 s1, $0x11  }
0xc8: {  	s0 =	sor.u32 s1, s0  }
0xc9: {  	s0 =	sadd.s32 $0x8F2B, s0  }
0xca: {  	[sflag:s0] =	ssyncadd.remote.s32 $0x1  }
0xcb: {  	_ =	sfence.sel $0xFFFF  }
0xcc: {  	[dreg:$0x0] =	wrdreg $0xFFFFFFFF;
	(pc) =	sbr.abs _section_cstart, $3  }
0xcd: {  	[dreg:$0x1] =	wrdreg $0xFFFFFFFF  }
0xce: {  	_ =	task.clear_ibuf [dreg:s11], $0x2FFFF;
	_ =	strace $0x9FFFFFFF  }
0xcf: {  	(tm) =	ssettm $0x7FFFFFFF  }
tec
execute0_lowered:
.L_overlay_start_1:
0x0: {  	(tag) =	ssettag $0x1  }
0x1: {  	s0 =	rddreg [dreg:$0x0]  }
0x2: {  	s1 =	rddreg [dreg:$0x1]  }
0x3: {  	s2 =	rddreg [dreg:$0x2]  }
0x4: {  	s4 =	rddreg [dreg:$0x3]  }
0x5: {  	s3 =	srdreg.scid;
	s8 =	rddreg [dreg:$0x4]  }
0x6: {  	s16 =	stileid.u32;
	s5 =	rddreg [dreg:$0x5]  }
0x7: {  	s7 =	simm.s32 $0x0;
	s11 =	simm.s32 $0x1;
	s28 =	simm.s32 $0x4  }
0x8: {  	s29 =	simm.s32 $0x5;
	s30 =	simm.s32 $0x0;
	s3 =	sand.u32 $0x1, s3  }
0x9: {  	s10 =	sand.u32 $0x3, s16;
	[smem:$0x7FF] =	sst s7;
	s17 =	sshll.u32 s16, $0x6  }
0xa: {  	s26 =	sshll.u32 s16, $0xD;
	s6 =	sshll.u32 s3, $0x4;
	p1 =	sne.s32 s10, $0x0  }
0xb: {  	s3 =	ssub.s32 $0x2, s3;
	s12 =	sshll.u32 s10, $0xA;
	s9 =	sor.u32 s16, s6  }
0xc: {  	s10 =	sshll.u32 s10, $0xD;
	s19 =	smov.u32 s17;
	p0 =	seq.s32 s9, $0x0  }
0xd: {  	s6 =	rddreg [dreg:$0x6];
	_ =	strace $0x80000047;
	p0 =	por !p1, !p0  }
0xe: {  	s20 =	sshrl.u32 s3, $0x1;
	s9 =	sshrl.u32 s9, $0x2;
	p0 =	por !p0, !p0  }
0xf: {  	s3 =	ssub.s32 s3, s20;
	s16 =	sadd.s32 s26, s6;
	s11 =	simm.s32 @!p0 $0x0  }
0x10: {  	s20 =	simm.s32 $0x400;
	s3 =	smax.u32 s3, $0x1;
	s13 =	ssub.s32 s9, s11  }
0x11: {  	[dreg:$0xd] =	wrdreg s3;
	s11 =	sshll.u32 s13, $0x14;
	s21 =	sshll.u32 s13, $0xB  }
0x12: {  	s22 =	sshll.u32 s13, $0x7;
	s13 =	sshll.u32 s13, $0xF;
	s9 =	sor.u32 s12, s11  }
0x13: {  	s11 =	sand.u32 $0xFFFFC000, s21;
	s12 =	sand.u32 $0x380, s22;
	s14 =	sshrl.u32 s9, $0x3  }
0x14: {  	s10 =	sor.u32 s10, s13;
	s21 =	simm.s32 $0x1000;
	s15 =	sadd.s32 s0, s14  }
0x15: {  	s10 =	sshrl.u32 s10, $0x3;
	s14 =	sadd.s32 s1, s14;
	[dreg:$0x8] =	wrdreg s15  }
0x16: {  	s23 =	sor.u32 s12, s11;
	s4 =	sadd.s32 s4, s10;
	[dreg:$0x9] =	wrdreg s14  }
0x17: {  	s24 =	sshrl.u32 s23, $0x3;
	s31 =	sadd.s32 s8, s10;
	[dreg:$0xb] =	wrdreg s4  }
0x18: {  	s25 =	sadd.s32 s2, s24;
	s15 =	sadd.s32 s26, s5;
	[dreg:$0xc] =	wrdreg s31  }
0x19: {  	v1 =	vimm.f32 $0.0e+00;
	v0 =	vmov s17;
	s26 =	simm.s32 $0x40;
	[dreg:$0xa] =	wrdreg s25;
	s25 =	simm.s32 $0x7  }
.LBB2_1:
0x1a: {  	s3 =	rddreg [dreg:$0x8]  }
0x1b: {  	s23 =	rddreg [dreg:$0x9]  }
0x1c: {  	[tilespmem:s7], [sflag:$0x1] =	stream.strided.gather [hbm4b:s3+s20], $0x2000, s21, s20, $0x38;
	[tilespmem:$0x14400] =	vst v63  }
0x1d: {  	s4 =	simm.s32 $0x4000;
	s24 =	rddreg [dreg:$0xa]  }
0x1e: {  	[tilespmem:s4], [sflag:$0x1] =	stream.strided.gather [hbm4b:s23+s20], $0x2000, s21, s20, $0x38;
	[tilespmem:$0x14400] =	vst v63  }
0x1f: {  	s31 =	simm.s32 $0x10000;
	s3 =	simm.s32 $0x0;
	s4 =	simm.s32 $0x200  }
0x20: {  	[tilespmem:s31], [sflag:$0x1] =	stream.linear.gather [hbm4b:s24+s7], $0x40, $0x38;
	[tilespmem:$0x14400] =	vst v63  }
.LBB2_2:
0x21: {  	p0 =	sne.s32 s4, $0x7E00;
	[tilespmem:s3+$0xA070] =	vst v1  }
0x22: {  	[tilespmem:s3+$0xA000] =	vst v1  }
0x23: {  	[tilespmem:s3+$0xA010] =	vst v1  }
.Ltmp0:
0x24: {  	[tilespmem:s3+$0xA020] =	vst v1;
	(pc) =	sbr.rel @p0 .LBB2_2-.Ltmp0, $4  }
0x25: {  	[tilespmem:s3+$0xA030] =	vst v1  }
0x26: {  	[tilespmem:s3+$0xA040] =	vst v1  }
0x27: {  	[tilespmem:s3+$0xA050] =	vst v1  }
0x28: {  	[tilespmem:s3+$0xA060] =	vst v1;
	s3 =	sshra.s32 s4, $0x2;
	s4 =	sadd.s32 $0x200, s4  }
0x29: {  	[tilespmem:s3+$0xA070] =	vst v1  }
0x2a: {  	[tilespmem:s3+$0xA000] =	vst v1  }
0x2b: {  	[tilespmem:s3+$0xA010] =	vst v1  }
0x2c: {  	[tilespmem:s3+$0xA020] =	vst v1  }
0x2d: {  	[tilespmem:s3+$0xA030] =	vst v1  }
0x2e: {  	[tilespmem:s3+$0xA040] =	vst v1  }
0x2f: {  	[tilespmem:s3+$0xA050] =	vst v1  }
0x30: {  	[tilespmem:s3+$0xA060] =	vst v1;
	s31 =	simm.s32 $0xA000  }
0x31: {  	[spmem:s15] =	stream.linear.scatter [tilespmem:s31], [sflag:$0x7], $0x2000, $0x38;
	[tilespmem:$0x14400] =	vst v63  }
0x32: {  	_ =	swait.ge [sflag:s25], $0x2000  }
0x33: {  	[sflag:s25] =	ssyncset.done $0x0  }
0x34: {  	[sflag:s25] =	ssyncadd.s32 $0xFFFFE000  }
0x35: {  	[spmem:s16] =	stream.linear.scatter [tilespmem:s31], [sflag:$0x7], $0x2000, $0x38;
	[tilespmem:$0x14400] =	vst v63  }
0x36: {  	_ =	swait.ge [sflag:s25], $0x2000  }
0x37: {  	[sflag:s25] =	ssyncset.done $0x0  }
0x38: {  	s3 =	simm.s32 $0x0;
	[sflag:s25] =	ssyncadd.s32 $0xFFFFE000  }
.LBB2_4:
0x39: {  	p0 =	slt.u32 s3, $0x2  }
0x3a: {  	s4 =	sadd.s32 @!p0 $0x1, s3  }
0x3b: {  	s8 =	sand.u32 @!p0 $0xFF, s4  }
0x3c: {  	s8 =	smul.u32 @!p0 $0xAB, s8;
	_ =	sdelay $0x1  }
0x3d: {  	s8 =	sshrl.u32 @!p0 s8, $0x9  }
0x3e: {  	s8 =	smul.u32 @!p0 $0x3, s8;
	_ =	sdelay $0x1  }
0x3f: {  	s4 =	ssub.s32 @!p0 s4, s8  }
0x40: {  	s4 =	sor.u32 @!p0 $0x4, s4  }
0x41: {  	s4 =	sand.u32 @!p0 $0xFF, s4  }
0x42: {  	_ =	swait.ge @!p0 [sflag:s4], $0x2000  }
0x43: {  	[sflag:s4] =	ssyncset.done @!p0 $0x0  }
0x44: {  	p1 =	seq.s32 @!p0 s3, $0x1F;
	[sflag:s4] =	ssyncadd.s32 @!p0 $0xFFFFE000  }
0x45: {  	s31 =	simm.s32 @!p0 $0x20;
	p1 =	por p0, !p1;
	_ =	swait.ge @!p0 [sflag:s4], $0x2000  }
0x46: {  	s31 =	sadd.s32 @p1 $0x1, s3;
	[sflag:s4] =	ssyncset.done @!p0 $0x0  }
0x47: {  	[sflag:s4] =	ssyncadd.s32 @!p0 $0xFFFFE000;
	s4 =	smul.u32 @p1 $0xAB, s31;
	_ =	sdelay $0x1  }
0x48: {  	s4 =	sshrl.u32 @p1 s4, $0x9  }
0x49: {  	s4 =	sand.u32 @p1 $0x7F, s4  }
0x4a: {  	s4 =	smul.u32 @p1 $0x3, s4  }
0x4b: {  	s10 =	sshll.u32 @p1 s31, $0xF  }
0x4c: {  	s10 =	sadd.s32 @p1 s9, s10;
	s8 =	sand.u32 $0x1, s3;
	s4 =	ssub.s32 @p1 s31, s4  }
0x4d: {  	s10 =	sshrl.u32 @p1 s10, $0x3;
	s13 =	sshll.u32 @p1 s8, $0xD;
	s4 =	sand.u32 @p1 $0xFF, s4  }
0x4e: {  	s17 =	sadd.s32 @p1 s0, s10;
	s13 =	sxor.u32 @p1 $0x2000, s13;
	s14 =	sadd.s32 @p1 $0x1, s4  }
0x4f: {  	[tilespmem:s13], [sflag:s14] =	stream.strided.gather @p1 [hbm4b:s17+s20], $0x2000, s21, s20, $0x38;
	[tilespmem:$0x14400] =	vst v63  }
0x50: {  	s13 =	sshll.u32 @p1 s4, $0xD  }
0x51: {  	s10 =	sadd.s32 @p1 s1, s10;
	s13 =	sadd.s32 @p1 $0x4000, s13  }
0x52: {  	[tilespmem:s13], [sflag:s14] =	stream.strided.gather @p1 [hbm4b:s10+s20], $0x2000, s21, s20, $0x38;
	[tilespmem:$0x14400] =	vst v63  }
0x53: {  	s10 =	sshll.u32 @p1 s31, $0x9  }
0x54: {  	s13 =	sshll.u32 @p1 s31, $0x6;
	s10 =	sand.u32 @p1 $0x7C00, s10  }
0x55: {  	s13 =	sand.u32 @p1 $0x40, s13;
	s10 =	sadd.s32 @p1 s11, s10  }
0x56: {  	s10 =	sor.u32 @p1 s13, s10  }
0x57: {  	s10 =	sor.u32 @p1 s12, s10  }
0x58: {  	s4 =	sshll.u32 @p1 s4, $0x7;
	s10 =	sshrl.u32 @p1 s10, $0x3  }
0x59: {  	s18 =	sand.u32 $0xFF, s3;
	s4 =	sor.u32 @p1 $0x10000, s4;
	s10 =	sadd.s32 @p1 s2, s10  }
0x5a: {  	[tilespmem:s4], [sflag:s14] =	stream.linear.gather @p1 [hbm4b:s10+s7], $0x40, $0x38;
	[tilespmem:$0x14400] =	vst v63  }
0x5b: {  	s4 =	smul.u32 $0xAB, s18;
	_ =	sdelay $0x1  }
0x5c: {  	s4 =	sshrl.u32 s4, $0x9  }
0x5d: {  	s4 =	smul.u32 $0x3, s4;
	_ =	sdelay $0x1  }
0x5e: {  	s22 =	ssub.s32 s3, s4  }
0x5f: {  	s4 =	sand.u32 $0xFF, s22  }
0x60: {  	s23 =	sadd.s32 $0x1, s4  }
0x61: {  	_ =	swait.ge [sflag:s23], $0x2000  }
0x62: {  	[sflag:s23] =	ssyncset.done $0x0  }
0x63: {  	s24 =	sshll.u32 s4, $0x7;
	[sflag:s23] =	ssyncadd.s32 $0xFFFFE000  }
0x64: {  	s13 =	sor.u32 $0x10000, s24;
	_ =	swait.ge [sflag:s23], $0x2000  }
0x65: {  	v3 =	vmov s13;
	[sflag:s23] =	ssyncset.done $0x0  }
0x66: {  	[sflag:s23] =	ssyncadd.s32 $0xFFFFE000  }
0x67: {  	_ =	swait.ge [sflag:s23], $0x40  }
0x68: {  	[sflag:s23] =	ssyncset.done $0x0  }
0x69: {  	s10 =	simm.s32 $0x0;
	s3 =	sadd.s32 $0x10200, s24;
	[sflag:s23] =	ssyncadd.s32 $0xFFFFFFC0  }
0x6a: {  	v2 =	vmov s3;
	s13 =	simm.s32 $0x40;
	v4 =	vld.idx.msk [tilespmem:v3+s10+$0x0 ss:$0x1], $0xffff  }
.LBB2_5:
0x6b: {  	p0 =	seq.s32 s13, $0xC0  }
.Ltmp1:
0x6c: {  	_ = 	snop;
	(pc) =	sbr.rel @!p0 .LBB2_5-.Ltmp1, $4  }
0x6d: {  	_ = 	snop  }
0x6e: {  	s14 =	sshra.s32 s13, $0x2;
	s13 =	sadd.s32 $0x40, s13  }
0x6f: {  	v5 =	vadd.s32 v0, v4;
	v4 =	vld.idx.msk [tilespmem:v3+s14+$0x0 ss:$0x1], $0xffff  }
0x70: {  	[tilespmem:v2+s10+$0x0 ss:$0x1] =	vst.idx.msk $0xffff, v5;
	s10 =	smov.u32 s14  }
0x71: {  	_ = 	snop  }
0x72: {  	s8 =	sshll.u32 s8, $0xD  }
0x73: {  	s24 =	sshll.u32 s4, $0xD;
	s8 =	sor.u32 $0x40, s8  }
0x74: {  	s23 =	sadd.s32 $0x4000, s24;
	v3 =	vadd.s32 v0, v4;
	v4 =	vmov s8  }
0x75: {  	[tilespmem:v2+s10+$0x0 ss:$0x1] =	vst.idx.msk $0xffff, v3;
	v3 =	vmov s23;
	_ =	sdelay $0x2  }
0x76: {  	s10 =	simm.s32 $0x0  }
0x77: {  	v6 =	vld.idx.msk [tilespmem:v4+s10+$0xFFFFFFC0 ss:$0x1], $0xffff  }
0x78: {  	v5 =	vld.idx.msk [tilespmem:v3+s10+$0x0 ss:$0x1], $0xffff  }
0x79: {  	s22 =	sadd.s32 $0xA000, s24  }
0x7a: {  	v2 =	vmov s22;
	_ =	sdelay $0x2  }
0x7b: {  	v5 =	vmul.f32 v6, v5;
	_ =	sdelay $0x1  }
0x7c: {  	[tilespmem:v2+s10+$0x0 ss:$0x1] =	vst.idx.msk $0xffff, v5  }
0x7d: {  	v5 =	vld.idx.msk [tilespmem:v3+s10+$0x10 ss:$0x1], $0xffff  }
0x7e: {  	v6 =	vld.idx.msk [tilespmem:v4+s10+$0xFFFFFFD0 ss:$0x1], $0xffff;
	_ =	sdelay $0x2  }
0x7f: {  	s13 =	simm.s32 $0x80  }
0x80: {  	v8 =	vld.idx.msk [tilespmem:v4+s13+$0xFFFFFFC0 ss:$0x1], $0xffff  }
0x81: {  	v7 =	vld.idx.msk [tilespmem:v3+s13+$0x0 ss:$0x1], $0xffff;
	v5 =	vmul.f32 v6, v5;
	_ =	sdelay $0x1  }
0x82: {  	[tilespmem:v2+s10+$0x10 ss:$0x1] =	vst.idx.msk $0xffff, v5  }
0x83: {  	v5 =	vld.idx.msk [tilespmem:v3+s10+$0x20 ss:$0x1], $0xffff  }
0x84: {  	v6 =	vld.idx.msk [tilespmem:v4+s10+$0xFFFFFFE0 ss:$0x1], $0xffff  }
0x85: {  	v7 =	vmul.f32 v8, v7;
	_ =	sdelay $0x1  }
0x86: {  	[tilespmem:v2+s13+$0x0 ss:$0x1] =	vst.idx.msk $0xffff, v7  }
0x87: {  	v7 =	vld.idx.msk [tilespmem:v3+s13+$0x10 ss:$0x1], $0xffff  }
0x88: {  	v8 =	vld.idx.msk [tilespmem:v4+s13+$0xFFFFFFD0 ss:$0x1], $0xffff;
	v5 =	vmul.f32 v6, v5;
	_ =	sdelay $0x1  }
0x89: {  	[tilespmem:v2+s10+$0x20 ss:$0x1] =	vst.idx.msk $0xffff, v5  }
0x8a: {  	v5 =	vld.idx.msk [tilespmem:v3+s10+$0x30 ss:$0x1], $0xffff  }
0x8b: {  	s8 =	simm.s32 $0x100;
	v6 =	vld.idx.msk [tilespmem:v4+s10+$0xFFFFFFF0 ss:$0x1], $0xffff  }
0x8c: {  	v9 =	vld.idx.msk [tilespmem:v3+s8+$0x0 ss:$0x1], $0xffff;
	v7 =	vmul.f32 v8, v7  }
0x8d: {  	v8 =	vld.idx.msk [tilespmem:v4+s8+$0xFFFFFFC0 ss:$0x1], $0xffff  }
0x8e: {  	[tilespmem:v2+s13+$0x10 ss:$0x1] =	vst.idx.msk $0xffff, v7  }
0x8f: {  	v7 =	vld.idx.msk [tilespmem:v3+s13+$0x20 ss:$0x1], $0xffff  }
0x90: {  	v10 =	vld.idx.msk [tilespmem:v4+s13+$0xFFFFFFE0 ss:$0x1], $0xffff;
	v5 =	vmul.f32 v6, v5;
	_ =	sdelay $0x1  }
0x91: {  	v6 =	vmul.f32 v8, v9;
	[tilespmem:v2+s10+$0x30 ss:$0x1] =	vst.idx.msk $0xffff, v5  }
0x92: {  	v5 =	vld.idx.msk [tilespmem:v3+s10+$0x40 ss:$0x1], $0xffff  }
0x93: {  	[tilespmem:v2+s8+$0x0 ss:$0x1] =	vst.idx.msk $0xffff, v6;
	v6 =	vld.idx.msk [tilespmem:v4+s10+$0x0 ss:$0x1], $0xffff  }
0x94: {  	v7 =	vmul.f32 v10, v7;
	v8 =	vld.idx.msk [tilespmem:v3+s8+$0x10 ss:$0x1], $0xffff  }
0x95: {  	v9 =	vld.idx.msk [tilespmem:v4+s8+$0xFFFFFFD0 ss:$0x1], $0xffff  }
0x96: {  	[tilespmem:v2+s13+$0x20 ss:$0x1] =	vst.idx.msk $0xffff, v7  }
0x97: {  	v7 =	vld.idx.msk [tilespmem:v3+s13+$0x30 ss:$0x1], $0xffff  }
0x98: {  	s14 =	simm.s32 $0x180;
	v10 =	vld.idx.msk [tilespmem:v4+s13+$0xFFFFFFF0 ss:$0x1], $0xffff;
	v5 =	vmul.f32 v6, v5  }
0x99: {  	v11 =	vld.idx.msk [tilespmem:v4+s14+$0xFFFFFFC0 ss:$0x1], $0xffff  }
0x9a: {  	v6 =	vld.idx.msk [tilespmem:v3+s14+$0x0 ss:$0x1], $0xffff;
	v8 =	vmul.f32 v9, v8;
	[tilespmem:v2+s10+$0x40 ss:$0x1] =	vst.idx.msk $0xffff, v5  }
0x9b: {  	v5 =	vld.idx.msk [tilespmem:v3+s10+$0x50 ss:$0x1], $0xffff  }
0x9c: {  	[tilespmem:v2+s8+$0x10 ss:$0x1] =	vst.idx.msk $0xffff, v8;
	v8 =	vld.idx.msk [tilespmem:v4+s10+$0x10 ss:$0x1], $0xffff  }
0x9d: {  	v7 =	vmul.f32 v10, v7;
	v9 =	vld.idx.msk [tilespmem:v3+s8+$0x20 ss:$0x1], $0xffff  }
0x9e: {  	s17 =	simm.s32 $0x200;
	v10 =	vld.idx.msk [tilespmem:v4+s8+$0xFFFFFFE0 ss:$0x1], $0xffff  }
0x9f: {  	v15 =	vld.idx.msk [tilespmem:v4+s17+$0xFFFFFFC0 ss:$0x1], $0xffff;
	[tilespmem:v2+s13+$0x30 ss:$0x1] =	vst.idx.msk $0xffff, v7;
	v6 =	vmul.f32 v11, v6  }
0xa0: {  	v7 =	vld.idx.msk [tilespmem:v3+s13+$0x40 ss:$0x1], $0xffff  }
0xa1: {  	[tilespmem:v2+s14+$0x0 ss:$0x1] =	vst.idx.msk $0xffff, v6;
	v6 =	vld.idx.msk [tilespmem:v4+s13+$0x0 ss:$0x1], $0xffff;
	v5 =	vmul.f32 v8, v5  }
0xa2: {  	v8 =	vld.idx.msk [tilespmem:v3+s14+$0x10 ss:$0x1], $0xffff  }
0xa3: {  	v11 =	vld.idx.msk [tilespmem:v4+s14+$0xFFFFFFD0 ss:$0x1], $0xffff;
	v9 =	vmul.f32 v10, v9;
	[tilespmem:v2+s10+$0x50 ss:$0x1] =	vst.idx.msk $0xffff, v5  }
0xa4: {  	v5 =	vld.idx.msk [tilespmem:v3+s10+$0x60 ss:$0x1], $0xffff  }
0xa5: {  	[tilespmem:v2+s8+$0x20 ss:$0x1] =	vst.idx.msk $0xffff, v9;
	v9 =	vld.idx.msk [tilespmem:v4+s10+$0x20 ss:$0x1], $0xffff  }
0xa6: {  	v12 =	vld.idx.msk [tilespmem:v3+s8+$0x30 ss:$0x1], $0xffff;
	v6 =	vmul.f32 v6, v7  }
0xa7: {  	v13 =	vld.idx.msk [tilespmem:v4+s8+$0xFFFFFFF0 ss:$0x1], $0xffff  }
0xa8: {  	v14 =	vld.idx.msk [tilespmem:v3+s17+$0x0 ss:$0x1], $0xffff;
	v8 =	vmul.f32 v11, v8;
	[tilespmem:v2+s13+$0x40 ss:$0x1] =	vst.idx.msk $0xffff, v6  }
0xa9: {  	v7 =	vld.idx.msk [tilespmem:v3+s13+$0x50 ss:$0x1], $0xffff  }
0xaa: {  	[tilespmem:v2+s14+$0x10 ss:$0x1] =	vst.idx.msk $0xffff, v8;
	v8 =	vld.idx.msk [tilespmem:v4+s13+$0x10 ss:$0x1], $0xffff;
	v5 =	vmul.f32 v9, v5  }
0xab: {  	v9 =	vld.idx.msk [tilespmem:v3+s14+$0x20 ss:$0x1], $0xffff  }
0xac: {  	v10 =	vld.idx.msk [tilespmem:v4+s14+$0xFFFFFFE0 ss:$0x1], $0xffff;
	v6 =	vmul.f32 v13, v12;
	[tilespmem:v2+s10+$0x60 ss:$0x1] =	vst.idx.msk $0xffff, v5  }
0xad: {  	v5 =	vld.idx.msk [tilespmem:v3+s10+$0x70 ss:$0x1], $0xffff  }
0xae: {  	s24 =	simm.s32 $0xA00;
	v11 =	vmul.f32 v15, v14;
	[tilespmem:v2+s8+$0x30 ss:$0x1] =	vst.idx.msk $0xffff, v6;
	v6 =	vld.idx.msk [tilespmem:v4+s10+$0x30 ss:$0x1], $0xffff  }
.LBB2_7:
0xaf: {  	p0 =	sne.s32 s24, $0x7E00;
	v12 =	vld.idx.msk [tilespmem:v3+s8+$0x40 ss:$0x1], $0xffff  }
0xb0: {  	v7 =	vmul.f32 v8, v7;
	[tilespmem:v2+s17+$0x0 ss:$0x1] =	vst.idx.msk $0xffff, v11;
	v11 =	vld.idx.msk [tilespmem:v4+s8+$0x0 ss:$0x1], $0xffff  }
0xb1: {  	v8 =	vld.idx.msk [tilespmem:v3+s17+$0x10 ss:$0x1], $0xffff  }
0xb2: {  	v9 =	vmul.f32 v10, v9;
	v13 =	vld.idx.msk [tilespmem:v4+s17+$0xFFFFFFD0 ss:$0x1], $0xffff;
	[tilespmem:v2+s13+$0x50 ss:$0x1] =	vst.idx.msk $0xffff, v7  }
0xb3: {  	v10 =	vld.idx.msk [tilespmem:v3+s13+$0x60 ss:$0x1], $0xffff  }
0xb4: {  	v5 =	vmul.f32 v6, v5;
	[tilespmem:v2+s14+$0x20 ss:$0x1] =	vst.idx.msk $0xffff, v9;
	v9 =	vld.idx.msk [tilespmem:v4+s13+$0x20 ss:$0x1], $0xffff  }
0xb5: {  	v6 =	vld.idx.msk [tilespmem:v3+s14+$0x30 ss:$0x1], $0xffff  }
0xb6: {  	s18 =	sshra.s32 s24, $0x2;
	v7 =	vmul.f32 v11, v12;
	v14 =	vld.idx.msk [tilespmem:v4+s14+$0xFFFFFFF0 ss:$0x1], $0xffff;
	[tilespmem:v2+s10+$0x70 ss:$0x1] =	vst.idx.msk $0xffff, v5;
	s10 =	smov.u32 s13;
	s13 =	smov.u32 s8  }
0xb7: {  	s8 =	smov.u32 s14;
	s14 =	smov.u32 s17;
	s17 =	smov.u32 s18;
	v11 =	vld.idx.msk [tilespmem:v3+s18+$0x0 ss:$0x1], $0xffff  }
0xb8: {  	v5 =	vmul.f32 v13, v8;
	v12 =	vld.idx.msk [tilespmem:v4+s17+$0xFFFFFFC0 ss:$0x1], $0xffff;
	[tilespmem:v2+s13+$0x40 ss:$0x1] =	vst.idx.msk $0xffff, v7  }
0xb9: {  	v7 =	vld.idx.msk [tilespmem:v3+s13+$0x50 ss:$0x1], $0xffff  }
.Ltmp2:
0xba: {  	[tilespmem:v2+s14+$0x10 ss:$0x1] =	vst.idx.msk $0xffff, v5;
	v8 =	vld.idx.msk [tilespmem:v4+s13+$0x10 ss:$0x1], $0xffff;
	v5 =	vmul.f32 v9, v10;
	(pc) =	sbr.rel @p0 .LBB2_7-.Ltmp2, $4  }
0xbb: {  	v9 =	vld.idx.msk [tilespmem:v3+s14+$0x20 ss:$0x1], $0xffff  }
0xbc: {  	v6 =	vmul.f32 v14, v6;
	v10 =	vld.idx.msk [tilespmem:v4+s14+$0xFFFFFFE0 ss:$0x1], $0xffff;
	[tilespmem:v2+s10+$0x60 ss:$0x1] =	vst.idx.msk $0xffff, v5  }
0xbd: {  	v5 =	vld.idx.msk [tilespmem:v3+s10+$0x70 ss:$0x1], $0xffff  }
0xbe: {  	s24 =	sadd.s32 $0x200, s24;
	v11 =	vmul.f32 v12, v11;
	[tilespmem:v2+s8+$0x30 ss:$0x1] =	vst.idx.msk $0xffff, v6;
	v6 =	vld.idx.msk [tilespmem:v4+s10+$0x30 ss:$0x1], $0xffff  }
0xbf: {  	_ =	sdelay $0x3  }
0xc0: {  	[tilespmem:v2+s17+$0x0 ss:$0x1] =	vst.idx.msk $0xffff, v11  }
0xc1: {  	v11 =	vld.idx.msk [tilespmem:v3+s17+$0x10 ss:$0x1], $0xffff  }
0xc2: {  	v12 =	vld.idx.msk [tilespmem:v4+s17+$0xFFFFFFD0 ss:$0x1], $0xffff;
	_ =	sdelay $0x4  }
0xc3: {  	v11 =	vmul.f32 v12, v11;
	_ =	sdelay $0x1  }
0xc4: {  	[tilespmem:v2+s17+$0x10 ss:$0x1] =	vst.idx.msk $0xffff, v11  }
0xc5: {  	v11 =	vld.idx.msk [tilespmem:v3+s17+$0x20 ss:$0x1], $0xffff  }
0xc6: {  	v29 =	vld.idx.msk [tilespmem:v4+s17+$0xFFFFFFE0 ss:$0x1], $0xffff;
	_ =	sdelay $0x2  }
0xc7: {  	v9 =	vmul.f32 v10, v9;
	_ =	sdelay $0x1  }
0xc8: {  	[tilespmem:v2+s14+$0x20 ss:$0x1] =	vst.idx.msk $0xffff, v9;
	v30 =	vmul.f32 v29, v11  }
0xc9: {  	v31 =	vld.idx.msk [tilespmem:v3+s14+$0x30 ss:$0x1], $0xffff  }
0xca: {  	v32 =	vld.idx.msk [tilespmem:v4+s14+$0xFFFFFFF0 ss:$0x1], $0xffff;
	[tilespmem:v2+s17+$0x20 ss:$0x1] =	vst.idx.msk $0xffff, v30  }
0xcb: {  	v9 =	vld.idx.msk [tilespmem:v3+s17+$0x30 ss:$0x1], $0xffff  }
0xcc: {  	v33 =	vld.idx.msk [tilespmem:v4+s17+$0xFFFFFFF0 ss:$0x1], $0xffff;
	_ =	sdelay $0x2  }
0xcd: {  	v10 =	vmul.f32 v32, v31  }
0xce: {  	v34 =	vld.idx.msk [tilespmem:v3+s8+$0x40 ss:$0x1], $0xffff  }
0xcf: {  	v13 =	vld.idx.msk [tilespmem:v4+s8+$0x0 ss:$0x1], $0xffff;
	[tilespmem:v2+s14+$0x30 ss:$0x1] =	vst.idx.msk $0xffff, v10;
	v9 =	vmul.f32 v33, v9  }
0xd0: {  	v10 =	vld.idx.msk [tilespmem:v3+s14+$0x40 ss:$0x1], $0xffff  }
0xd1: {  	v35 =	vld.idx.msk [tilespmem:v4+s14+$0x0 ss:$0x1], $0xffff;
	[tilespmem:v2+s17+$0x30 ss:$0x1] =	vst.idx.msk $0xffff, v9  }
0xd2: {  	v9 =	vld.idx.msk [tilespmem:v3+s17+$0x40 ss:$0x1], $0xffff  }
0xd3: {  	v14 =	vld.idx.msk [tilespmem:v4+s17+$0x0 ss:$0x1], $0xffff  }
0xd4: {  	v11 =	vmul.f32 v13, v34;
	_ =	sdelay $0x1  }
0xd5: {  	[tilespmem:v2+s8+$0x40 ss:$0x1] =	vst.idx.msk $0xffff, v11;
	v10 =	vmul.f32 v35, v10  }
0xd6: {  	v11 =	vld.idx.msk [tilespmem:v3+s8+$0x50 ss:$0x1], $0xffff  }
0xd7: {  	v36 =	vld.idx.msk [tilespmem:v4+s8+$0x10 ss:$0x1], $0xffff;
	[tilespmem:v2+s14+$0x40 ss:$0x1] =	vst.idx.msk $0xffff, v10;
	v9 =	vmul.f32 v14, v9  }
0xd8: {  	v10 =	vld.idx.msk [tilespmem:v3+s14+$0x50 ss:$0x1], $0xffff  }
0xd9: {  	v37 =	vld.idx.msk [tilespmem:v4+s14+$0x10 ss:$0x1], $0xffff;
	[tilespmem:v2+s17+$0x40 ss:$0x1] =	vst.idx.msk $0xffff, v9  }
0xda: {  	v7 =	vmul.f32 v8, v7;
	v38 =	vld.idx.msk [tilespmem:v3+s17+$0x50 ss:$0x1], $0xffff  }
0xdb: {  	v9 =	vld.idx.msk [tilespmem:v4+s17+$0x10 ss:$0x1], $0xffff  }
0xdc: {  	[tilespmem:v2+s13+$0x50 ss:$0x1] =	vst.idx.msk $0xffff, v7;
	v39 =	vmul.f32 v36, v11  }
0xdd: {  	v40 =	vld.idx.msk [tilespmem:v3+s13+$0x60 ss:$0x1], $0xffff  }
0xde: {  	v41 =	vld.idx.msk [tilespmem:v4+s13+$0x20 ss:$0x1], $0xffff;
	[tilespmem:v2+s8+$0x50 ss:$0x1] =	vst.idx.msk $0xffff, v39;
	v42 =	vmul.f32 v37, v10  }
0xdf: {  	v43 =	vld.idx.msk [tilespmem:v3+s8+$0x60 ss:$0x1], $0xffff  }
0xe0: {  	v44 =	vld.idx.msk [tilespmem:v4+s8+$0x20 ss:$0x1], $0xffff;
	[tilespmem:v2+s14+$0x50 ss:$0x1] =	vst.idx.msk $0xffff, v42;
	v45 =	vmul.f32 v9, v38  }
0xe1: {  	v46 =	vld.idx.msk [tilespmem:v3+s14+$0x60 ss:$0x1], $0xffff  }
0xe2: {  	v47 =	vld.idx.msk [tilespmem:v4+s14+$0x20 ss:$0x1], $0xffff;
	[tilespmem:v2+s17+$0x50 ss:$0x1] =	vst.idx.msk $0xffff, v45  }
0xe3: {  	v48 =	vmul.f32 v41, v40;
	v49 =	vld.idx.msk [tilespmem:v3+s17+$0x60 ss:$0x1], $0xffff  }
0xe4: {  	v50 =	vld.idx.msk [tilespmem:v4+s17+$0x20 ss:$0x1], $0xffff  }
0xe5: {  	[tilespmem:v2+s13+$0x60 ss:$0x1] =	vst.idx.msk $0xffff, v48;
	v51 =	vmul.f32 v44, v43  }
0xe6: {  	v52 =	vld.idx.msk [tilespmem:v3+s13+$0x70 ss:$0x1], $0xffff  }
0xe7: {  	v53 =	vld.idx.msk [tilespmem:v4+s13+$0x30 ss:$0x1], $0xffff;
	[tilespmem:v2+s8+$0x60 ss:$0x1] =	vst.idx.msk $0xffff, v51;
	v54 =	vmul.f32 v47, v46  }
0xe8: {  	v55 =	vld.idx.msk [tilespmem:v3+s8+$0x70 ss:$0x1], $0xffff  }
0xe9: {  	v56 =	vld.idx.msk [tilespmem:v4+s8+$0x30 ss:$0x1], $0xffff;
	[tilespmem:v2+s14+$0x60 ss:$0x1] =	vst.idx.msk $0xffff, v54;
	v57 =	vmul.f32 v50, v49  }
0xea: {  	v58 =	vld.idx.msk [tilespmem:v3+s14+$0x70 ss:$0x1], $0xffff  }
0xeb: {  	v59 =	vld.idx.msk [tilespmem:v4+s14+$0x30 ss:$0x1], $0xffff;
	[tilespmem:v2+s17+$0x60 ss:$0x1] =	vst.idx.msk $0xffff, v57  }
0xec: {  	v3 =	vld.idx.msk [tilespmem:v3+s17+$0x70 ss:$0x1], $0xffff  }
0xed: {  	v60 =	vld.idx.msk [tilespmem:v4+s17+$0x30 ss:$0x1], $0xffff  }
0xee: {  	v5 =	vmul.f32 v6, v5  }
0xef: {  	v61 =	vmul.f32 v53, v52  }
0xf0: {  	[tilespmem:v2+s10+$0x70 ss:$0x1] =	vst.idx.msk $0xffff, v5;
	v62 =	vmul.f32 v56, v55  }
0xf1: {  	[tilespmem:v2+s13+$0x70 ss:$0x1] =	vst.idx.msk $0xffff, v61;
	v63 =	vmul.f32 v59, v58  }
0xf2: {  	[tilespmem:v2+s8+$0x70 ss:$0x1] =	vst.idx.msk $0xffff, v62;
	v3 =	vmul.f32 v60, v3  }
0xf3: {  	p0 =	slt.u32 s31, $0x20;
	[tilespmem:v2+s14+$0x70 ss:$0x1] =	vst.idx.msk $0xffff, v63  }
.Ltmp3:
0xf4: {  	s4 =	sadd.s32 $0x4, s4;
	[tilespmem:v2+s17+$0x70 ss:$0x1] =	vst.idx.msk $0xffff, v3;
	(pc) =	sbr.rel @p0 .LBB2_4-.Ltmp3, $4  }
0xf5: {  	[spmem:s5] =	stream.indirect.scatter.add.f32 [tilespmem:s23], [sflag:s4], $0x80, s3, s26, $0xb8;
	[tilespmem:$0x14400] =	vst v63  }
0xf6: {  	_ = 	snop  }
0xf7: {  	[spmem:s6] =	stream.indirect.scatter.add.f32 [tilespmem:s22], [sflag:s4], $0x80, s3, s26, $0xb8;
	[tilespmem:$0x14400] =	vst v63  }
0xf8: {  	s3 =	smov.u32 s31  }
0xf9: {  	_ =	swait.ge [sflag:s28], $0x2000  }
0xfa: {  	[sflag:s28] =	ssyncset.done $0x0  }
0xfb: {  	[sflag:s28] =	ssyncadd.s32 $0xFFFFE000  }
0xfc: {  	_ =	swait.ge [sflag:s28], $0x2000  }
0xfd: {  	[sflag:s28] =	ssyncset.done $0x0  }
0xfe: {  	[sflag:s28] =	ssyncadd.s32 $0xFFFFE000  }
0xff: {  	_ =	swait.ge [sflag:s29], $0x2000  }
0x100: {  	[sflag:s29] =	ssyncset.done $0x0  }
0x101: {  	[sflag:s29] =	ssyncadd.s32 $0xFFFFE000  }
0x102: {  	_ =	swait.ge [sflag:s29], $0x2000  }
0x103: {  	s3 =	sor.u32 $0x1C07, s19;
	[sflag:s29] =	ssyncset.done $0x0  }
0x104: {  	s4 =	sshrl.u32 s15, $0x3;
	s8 =	rddreg [dreg:$0xb];
	[sflag:s29] =	ssyncadd.s32 $0xFFFFE000  }
0x105: {  	[hbm:s8], [sflag:s3] =	dma.local [spmem:s4], $0x400  }
0x106: {  	_ =	swait.ge [sflag:s25], $0x400  }
0x107: {  	[sflag:s25] =	ssyncset.done $0x0  }
0x108: {  	s23 =	sshrl.u32 s16, $0x3;
	s24 =	rddreg [dreg:$0xc];
	[sflag:s25] =	ssyncadd.s32 $0xFFFFFC00  }
0x109: {  	[hbm:s24], [sflag:s3] =	dma.local [spmem:s23], $0x400  }
0x10a: {  	_ =	swait.ge [sflag:s25], $0x400  }
0x10b: {  	s30 =	sadd.s32 $0x1, s30;
	s31 =	rddreg [dreg:$0xd]  }
0x10c: {  	p0 =	sne.s32 s30, s31  }
.Ltmp4:
0x10d: {  	_ = 	snop;
	(pc) =	sbr.rel @p0 .LBB2_1-.Ltmp4, $3  }
0x10e: {  	_ =	sdelay $0x1  }
0x10f: {  	[sflag:s25] =	ssyncset.done $0x0  }
0x110: {  	[sflag:s25] =	ssyncadd.s32 $0xFFFFFC00  }
0x111: {  	_ =	sfence.sel $0x180000  }
0x112: {  	[bflag:$0x0] =	sbarrier.arrive $0xFFFF  }
0x113: {  	_ =	strace $0x90000047  }
0x114: {  	s0 =	stileid.u32;
	[bflag:$0x2] =	sbarrier.arrive $0xFFFF  }
0x115: {  	p0 =	sne.s32 s0, $0x0;
	s0 =	rddreg [dreg:$0x7]  }
0x116: {  	s0 =	sadd.s32 @!p0 $0x100000, s0  }
0x117: {  	[sflag:s0] =	ssyncadd.tile.s32 @!p0 $0x1;
	_ =	shalt  }
.Lfunc_end2:
_tile_overlayer_lowered:
.L_overlay_start_2:
0x118: {  	(tag) =	ssettag $0x2  }
0x119: {  	s0 =	rddreg [dreg:$0x0];
	s2 =	stileid.u32  }
0x11a: {  	s1 =	rddreg [dreg:$0x1];
	p0 =	sne.s32 s2, $0x0  }
0x11b: {  	s3 =	rddreg [dreg:$0x2];
	[bflag:$0x3] =	sbarrier.arrive $0xFFFF;
	s2 =	simm.s32 @!p0 $0x1C07  }
0x11c: {  	[timem:s3], [sflag:s2] =	dma.local @!p0 [hbm:s0], s1  }
0x11d: {  	s0 =	simm.s32 @!p0 $0x7  }
0x11e: {  	_ =	swait.ge @!p0 [sflag:s0], s1  }
0x11f: {  	s1 =	ssub.s32 @!p0 $0x0, s1;
	[sflag:s0] =	ssyncset.done @!p0 $0x0  }
0x120: {  	[sflag:s0] =	ssyncadd.s32 @!p0 s1  }
0x121: {  	[bflag:$0x3] =	sbarrier.arrive $0xFFFF  }
0x122: {  	_ =	shalt  }

</sc_bundles>
